<compile_context>
chip_gen: v7x
topology: tpu7x:2x2x1
jax: 0.10.2.dev20260603
libtpu: 0.0.44.dev20260713+nightly
codegen_flags: <defaults>
</compile_context>

<pallas_src>
import functools

import jax
import jax.numpy as jnp
from jax import lax
from jax.experimental import pallas as pl
from jax.experimental.pallas import tpu as pltpu
from jax.experimental.pallas import tpu_sc as plsc

N = 10000
D = 128

NC = 2
NS = 16
NW = NC * NS

C = 128
ROWS_PER_SUB = 632
N_PAD = NS * ROWS_PER_SUB


def _agg_body(cpw0, cpw1, feat, srcr, dstr, zrow, agg_out,
              srcv0, srcv1, dstv0, dstv1, msgv0, msgv1,
              aggs, semg, sems0, sems1):
    c = lax.axis_index("c")
    s = lax.axis_index("s")
    pltpu.sync_copy(zrow, aggs.at[pl.ds(s * ROWS_PER_SUB, ROWS_PER_SUB)])
    plsc.subcore_barrier()

    cpw = jnp.where(c == 0, cpw0, cpw1)
    base = jnp.where(c == 0, s * cpw0, (NS * cpw0) + s * cpw1) * C

    srcv = (srcv0, srcv1)
    dstv = (dstv0, dstv1)
    msgv = (msgv0, msgv1)
    sems = (sems0, sems1)

    for b in range(2):
        off = base + b * C
        pltpu.sync_copy(srcr.at[pl.ds(off, C)], srcv[b])
        pltpu.sync_copy(dstr.at[pl.ds(off, C)], dstv[b])
        pltpu.async_copy(feat.at[srcv[b]], msgv[b], semg).wait()
        pltpu.async_copy(msgv[b], aggs.at[dstv[b]], sems[b], add=True)

    @pl.loop(0, cpw - 2, step=2)
    def _(g):
        for b in range(2):
            off = base + (g + 2 + b) * C
            pltpu.make_async_copy(msgv[b], aggs.at[dstv[b]],
                                  sems[b]).wait()
            pltpu.sync_copy(srcr.at[pl.ds(off, C)], srcv[b])
            pltpu.sync_copy(dstr.at[pl.ds(off, C)], dstv[b])
            pltpu.async_copy(feat.at[srcv[b]], msgv[b], semg).wait()
            pltpu.async_copy(msgv[b], aggs.at[dstv[b]], sems[b], add=True)

    for b in range(2):
        pltpu.make_async_copy(msgv[b], aggs.at[dstv[b]], sems[b]).wait()

    plsc.subcore_barrier()
    r0 = s * ROWS_PER_SUB
    pltpu.sync_copy(aggs.at[pl.ds(r0, ROWS_PER_SUB)],
                    agg_out.at[c, pl.ds(r0, ROWS_PER_SUB)])


def _make_agg(cpw0, cpw1):
    mesh = plsc.VectorSubcoreMesh(core_axis_name="c", subcore_axis_name="s")
    return pl.kernel(
        functools.partial(_agg_body, cpw0, cpw1),
        out_type=jax.ShapeDtypeStruct((NC, N_PAD, D), jnp.float32),
        mesh=mesh,
        scratch_types=[
            pltpu.VMEM((C,), jnp.int32),
            pltpu.VMEM((C,), jnp.int32),
            pltpu.VMEM((C,), jnp.int32),
            pltpu.VMEM((C,), jnp.int32),
            pltpu.VMEM((C, D), jnp.float32),
            pltpu.VMEM((C, D), jnp.float32),
            pltpu.VMEM_SHARED((N_PAD, D), jnp.float32),
            pltpu.SemaphoreType.DMA,
            pltpu.SemaphoreType.DMA,
            pltpu.SemaphoreType.DMA,
        ],
    )


def _cnt_body(cpw, dstr, zrow, ones_h, cnt_out, dstv, onesv, cnts):
    c = lax.axis_index("c")
    s = lax.axis_index("s")
    wid = c * NS + s
    pltpu.sync_copy(zrow, cnts.at[pl.ds(s * ROWS_PER_SUB, ROWS_PER_SUB)])
    pltpu.sync_copy(ones_h, onesv)
    plsc.subcore_barrier()

    base = wid * cpw * C

    @pl.loop(0, cpw)
    def _(i):
        pltpu.sync_copy(dstr.at[pl.ds(base + i * C, C)], dstv)
        pltpu.sync_copy(onesv, cnts.at[dstv], add=True)

    plsc.subcore_barrier()
    r0 = s * ROWS_PER_SUB
    pltpu.sync_copy(cnts.at[pl.ds(r0, ROWS_PER_SUB)],
                    cnt_out.at[c, pl.ds(r0, ROWS_PER_SUB)])


def _make_cnt(cpw):
    mesh = plsc.VectorSubcoreMesh(core_axis_name="c", subcore_axis_name="s")
    return pl.kernel(
        functools.partial(_cnt_body, cpw),
        out_type=jax.ShapeDtypeStruct((NC, N_PAD, D), jnp.float32),
        mesh=mesh,
        scratch_types=[
            pltpu.VMEM((C,), jnp.int32),
            pltpu.VMEM((C, D), jnp.float32),
            pltpu.VMEM_SHARED((N_PAD, D), jnp.float32),
        ],
    )


def _dense_body(relu, p0, p1, c0, c1, xr, wl, wr, b, out):
    cnt = jnp.clip(c0[...] + c1[...], 1.0, None)
    mean = (p0[...] + p1[...]) / cnt
    acc = jnp.dot(mean, wl[...], preferred_element_type=jnp.float32)
    acc = acc + jnp.dot(xr[...], wr[...], preferred_element_type=jnp.float32)
    acc = acc + b[...]
    if relu:
        acc = jnp.maximum(acc, 0.0)
    out[...] = acc


def _dense(p0, p1, c0, c1, x, wl, wr, b, relu):
    R = 1000
    grid = (N // R,)
    row_spec = pl.BlockSpec((R, D), lambda i: (i, 0))
    cnt_spec = pl.BlockSpec((R, 1), lambda i: (i, 0))
    w_spec = pl.BlockSpec((D, D), lambda i: (0, 0))
    b_spec = pl.BlockSpec((1, D), lambda i: (0, 0))
    return pl.pallas_call(
        functools.partial(_dense_body, relu),
        grid=grid,
        in_specs=[row_spec, row_spec, cnt_spec, cnt_spec, row_spec,
                  w_spec, w_spec, b_spec],
        out_specs=row_spec,
        out_shape=jax.ShapeDtypeStruct((N, D), jnp.float32),
    )(p0, p1, c0, c1, x, wl, wr, b)


def kernel(x, edge_index, W1_l, b1_l, W1_r, W2_l, b2_l, W2_r):
    E = edge_index.shape[1]
    frac0 = 0.74
    T = -(-E // C)
    A = max(32, int(round(T * frac0 / 32)) * 32)
    B = -(-(T - A) // 32) * 32
    e_pad = (A + B) * C
    src = edge_index[0].astype(jnp.int32)
    dst = edge_index[1].astype(jnp.int32)
    pad = e_pad - E
    if pad:
        src = jnp.concatenate([src, jnp.zeros((pad,), jnp.int32)])
        dst = jnp.concatenate([dst, jnp.full((pad,), N, jnp.int32)])

    zrow = jnp.zeros((ROWS_PER_SUB, D), jnp.float32)
    ones_h = jnp.ones((C, D), jnp.float32)

    agg = _make_agg(A // NS, B // NS)
    cntk = _make_cnt((A + B) // NW)
    b1 = b1_l.reshape(1, D)
    b2 = b2_l.reshape(1, D)

    cnt = cntk(dst, zrow, ones_h)
    c0 = cnt[0, :N, 0:1]
    c1 = cnt[1, :N, 0:1]
    a1 = agg(x, src, dst, zrow)
    h = _dense(a1[0, :N], a1[1, :N], c0, c1, x, W1_l, W1_r, b1, relu=True)
    a2 = agg(h, src, dst, zrow)
    out = _dense(a2[0, :N], a2[1, :N], c0, c1, h, W2_l, W2_r, b2, relu=False)
    return out

# --- scband reference (transcript-rebuilt; emitter-appended) ---
"""Pipeline reference for scband-graph-sage-16381005267298 (READ-ONLY COPY).

The authoritative reference and input builder live on the scoring server;
editing this copy changes nothing except your own understanding.
"""

import jax, jax.numpy as jnp
import numpy as np

N = 10000
E = 320000
D = 128
H = 128
O = 128


def _sage_conv(x, src, dst, W_l, b_l, W_r, num_nodes):
    # PyG SAGEConv (mean aggregator): out = lin_l(mean_j x_j) + lin_r(x)
    msg = jnp.take(x, src, axis=0)                      # gather over src nodes
    agg = jax.ops.segment_sum(msg, dst, num_segments=num_nodes)
    cnt = jax.ops.segment_sum(jnp.ones((src.shape[0],), dtype=x.dtype), dst,
                              num_segments=num_nodes)
    mean = agg / jnp.clip(cnt, 1.0, None)[:, None]
    return mean @ W_l + b_l + x @ W_r


def setup_inputs(seed: int = 0) -> dict:
    key = jax.random.key(seed)
    ks = jax.random.split(key, 8)
    x = jax.random.normal(ks[0], (N, D), dtype=jnp.float32)
    edge_index = jax.random.randint(ks[1], (2, E), 0, N, dtype=jnp.int32).astype(jnp.int64)
    s1 = 1.0 / np.sqrt(D)
    s2 = 1.0 / np.sqrt(H)
    W1_l = jax.random.normal(ks[2], (D, H), dtype=jnp.float32) * s1
    b1_l = jnp.zeros((H,), dtype=jnp.float32)
    W1_r = jax.random.normal(ks[3], (D, H), dtype=jnp.float32) * s1
    W2_l = jax.random.normal(ks[4], (H, O), dtype=jnp.float32) * s2
    b2_l = jnp.zeros((O,), dtype=jnp.float32)
    W2_r = jax.random.normal(ks[5], (H, O), dtype=jnp.float32) * s2
    return {"x": x, "edge_index": edge_index,
            "W1_l": W1_l, "b1_l": b1_l, "W1_r": W1_r,
            "W2_l": W2_l, "b2_l": b2_l, "W2_r": W2_r}


def reference(x, edge_index, W1_l, b1_l, W1_r, W2_l, b2_l, W2_r):
    src = edge_index[0]
    dst = edge_index[1]
    h = _sage_conv(x, src, dst, W1_l, b1_l, W1_r, N)
    h = jax.nn.relu(h)
    out = _sage_conv(h, src, dst, W2_l, b2_l, W2_r, N)
    return out

if __name__ == "__main__":
    import jax
    _d = setup_inputs()
    print(jax.jit(kernel)(*tuple(_d.values())))

</pallas_src>

<mosaic_0001>
#map = affine_map<(d0, d1) -> (0, 0)>
#map1 = affine_map<(d0, d1) -> (0)>
#map2 = affine_map<(d0, d1) -> (0, 0, 0)>
module attributes {stable_mosaic.version = 14 : i64} {
  func.func @_agg_body(%arg0: i32, %arg1: i32, %arg2: memref<10000x128xf32, #tpu.memory_space<hbm>>, %arg3: memref<323584xi32, #tpu.memory_space<hbm>>, %arg4: memref<323584xi32, #tpu.memory_space<hbm>>, %arg5: memref<632x128xf32, #tpu.memory_space<hbm>>, %arg6: memref<2x10112x128xf32, #tpu.memory_space<hbm>>, %arg7: memref<128xi32, #tpu.memory_space<vmem>>, %arg8: memref<128xi32, #tpu.memory_space<vmem>>, %arg9: memref<128xi32, #tpu.memory_space<vmem>>, %arg10: memref<128xi32, #tpu.memory_space<vmem>>, %arg11: memref<128x128xf32, #tpu.memory_space<vmem>>, %arg12: memref<128x128xf32, #tpu.memory_space<vmem>>, %arg13: memref<10112x128xf32, #tpu.memory_space<vmem_shared>>, %arg14: memref<!tpu.dma_semaphore, #tpu.memory_space<semaphore_mem>>, %arg15: memref<!tpu.dma_semaphore, #tpu.memory_space<semaphore_mem>>, %arg16: memref<!tpu.dma_semaphore, #tpu.memory_space<semaphore_mem>>) attributes {dimension_semantics = [#tpu.dimension_semantics<core_parallel>, #tpu.dimension_semantics<subcore_parallel>], iteration_bounds = array<i64: 2, 16>, scalar_prefetch = 0 : i64, scratch_operands = 10 : i64, tpu.core_type = #tpu.core_type<sc_vector_subcore>, window_params = [{transform_indices = #map}, {transform_indices = #map1}, {transform_indices = #map1}, {transform_indices = #map}, {transform_indices = #map2}]} {
    %mul3A = arith.constant 632 : i32
    %mul3A_0 = arith.muli %arg1, %mul3A : i32
    "tpu.region"() ({
      %run_scoped3A = tpu.sem_alloc : memref<!tpu.dma_semaphore, #tpu.memory_space<semaphore_mem>>
      %dma_start3A_60 = arith.constant 0 : i32
      %dma_start3A_61 = tpu.memref_slice %arg13[%mul3A_0, %dma_start3A_60] : memref<10112x128xf32, #tpu.memory_space<vmem_shared>> -> memref<632x128xf32, #tpu.memory_space<vmem_shared>>
      tpu.enqueue_dma source(%arg5 : memref<632x128xf32, #tpu.memory_space<hbm>>) target(%dma_start3A_61 : memref<632x128xf32, #tpu.memory_space<vmem_shared>>) target_semaphore(%run_scoped3A : memref<!tpu.dma_semaphore, #tpu.memory_space<semaphore_mem>>)
      %dma_wait3A_62 = arith.constant 0 : i32
      %dma_wait3A_63 = tpu.memref_slice %arg13[%mul3A_0, %dma_wait3A_62] : memref<10112x128xf32, #tpu.memory_space<vmem_shared>> -> memref<632x128xf32, #tpu.memory_space<vmem_shared>>
      tpu.wait_dma2 semaphore(%run_scoped3A : memref<!tpu.dma_semaphore, #tpu.memory_space<semaphore_mem>>) src(%arg5 : memref<632x128xf32, #tpu.memory_space<hbm>>) dst(%dma_wait3A_63 : memref<632x128xf32, #tpu.memory_space<vmem_shared>>)
      tpu.yield
    }) : () -> ()
    %barrier3A = arith.constant 0 : index
    tpu.barrier barrier_id(%barrier3A)
    %eq3A = arith.constant 0 : i32
    %eq3A_1 = arith.cmpi eq, %arg0, %eq3A : i32
    %jit3A = arith.constant 116 : i32
    %jit3A_2 = arith.constant 42 : i32
    %select_n3A = arith.select %eq3A_1, %jit3A, %jit3A_2 : i32
    %eq3A_3 = arith.constant 0 : i32
    %eq3A_4 = arith.cmpi eq, %arg0, %eq3A_3 : i32
    %mul3A_5 = arith.constant 116 : i32
    %mul3A_6 = arith.muli %arg1, %mul3A_5 : i32
    %mul3A_7 = arith.constant 42 : i32
    %mul3A_8 = arith.muli %arg1, %mul3A_7 : i32
    %add3A = arith.constant 1856 : i32
    %add3A_9 = arith.addi %add3A, %mul3A_8 : i32
    %select_n3A_10 = arith.select %eq3A_4, %mul3A_6, %add3A_9 : i32
    %mul3A_11 = arith.constant 128 : i32
    %mul3A_12 = arith.muli %select_n3A_10, %mul3A_11 : i32
    %add3A_13 = arith.constant 0 : i32
    %add3A_14 = arith.addi %mul3A_12, %add3A_13 : i32
    "tpu.region"() ({
      %run_scoped3A = tpu.sem_alloc : memref<!tpu.dma_semaphore, #tpu.memory_space<semaphore_mem>>
      %dma_start3A_60 = tpu.memref_slice %arg3[%add3A_14] : memref<323584xi32, #tpu.memory_space<hbm>> -> memref<128xi32, #tpu.memory_space<hbm>>
      %dma_start3A_61 = tpu.memref_slice %arg3[%add3A_14] : memref<323584xi32, #tpu.memory_space<hbm>> -> memref<128xi32, #tpu.memory_space<hbm>>
      tpu.enqueue_dma source(%dma_start3A_61 : memref<128xi32, #tpu.memory_space<hbm>>) target(%arg7 : memref<128xi32, #tpu.memory_space<vmem>>) target_semaphore(%run_scoped3A : memref<!tpu.dma_semaphore, #tpu.memory_space<semaphore_mem>>)
      %dma_wait3A_62 = tpu.memref_slice %arg3[%add3A_14] : memref<323584xi32, #tpu.memory_space<hbm>> -> memref<128xi32, #tpu.memory_space<hbm>>
      %dma_wait3A_63 = tpu.memref_slice %arg3[%add3A_14] : memref<323584xi32, #tpu.memory_space<hbm>> -> memref<128xi32, #tpu.memory_space<hbm>>
      tpu.wait_dma2 semaphore(%run_scoped3A : memref<!tpu.dma_semaphore, #tpu.memory_space<semaphore_mem>>) src(%dma_wait3A_63 : memref<128xi32, #tpu.memory_space<hbm>>) dst(%arg7 : memref<128xi32, #tpu.memory_space<vmem>>)
      tpu.yield
    }) : () -> ()
    "tpu.region"() ({
      %run_scoped3A = tpu.sem_alloc : memref<!tpu.dma_semaphore, #tpu.memory_space<semaphore_mem>>
      %dma_start3A_60 = tpu.memref_slice %arg4[%add3A_14] : memref<323584xi32, #tpu.memory_space<hbm>> -> memref<128xi32, #tpu.memory_space<hbm>>
      %dma_start3A_61 = tpu.memref_slice %arg4[%add3A_14] : memref<323584xi32, #tpu.memory_space<hbm>> -> memref<128xi32, #tpu.memory_space<hbm>>
      tpu.enqueue_dma source(%dma_start3A_61 : memref<128xi32, #tpu.memory_space<hbm>>) target(%arg9 : memref<128xi32, #tpu.memory_space<vmem>>) target_semaphore(%run_scoped3A : memref<!tpu.dma_semaphore, #tpu.memory_space<semaphore_mem>>)
      %dma_wait3A_62 = tpu.memref_slice %arg4[%add3A_14] : memref<323584xi32, #tpu.memory_space<hbm>> -> memref<128xi32, #tpu.memory_space<hbm>>
      %dma_wait3A_63 = tpu.memref_slice %arg4[%add3A_14] : memref<323584xi32, #tpu.memory_space<hbm>> -> memref<128xi32, #tpu.memory_space<hbm>>
      tpu.wait_dma2 semaphore(%run_scoped3A : memref<!tpu.dma_semaphore, #tpu.memory_space<semaphore_mem>>) src(%dma_wait3A_63 : memref<128xi32, #tpu.memory_space<hbm>>) dst(%arg9 : memref<128xi32, #tpu.memory_space<vmem>>)
      tpu.yield
    }) : () -> ()
    %dma_start3A = arith.constant 0 : i32
    %dma_start3A_15 = arith.constant 0 : i32
    %dma_start3A_16 = tpu.memref_slice %arg2[%dma_start3A, %dma_start3A_15] : memref<10000x128xf32, #tpu.memory_space<hbm>> -> memref<10000x128xf32, #tpu.memory_space<hbm>>
    tpu.enqueue_indirect_dma source(%dma_start3A_16 : memref<10000x128xf32, #tpu.memory_space<hbm>>) target(%arg11 : memref<128x128xf32, #tpu.memory_space<vmem>>) offsets(%arg7 : memref<128xi32, #tpu.memory_space<vmem>>) semaphore(%arg14 : memref<!tpu.dma_semaphore, #tpu.memory_space<semaphore_mem>>)
    %dma_wait3A = arith.constant 0 : i32
    %dma_wait3A_17 = arith.constant 0 : i32
    %dma_wait3A_18 = tpu.memref_slice %arg2[%dma_wait3A, %dma_wait3A_17] : memref<10000x128xf32, #tpu.memory_space<hbm>> -> memref<10000x128xf32, #tpu.memory_space<hbm>>
    tpu.wait_indirect_dma semaphore(%arg14 : memref<!tpu.dma_semaphore, #tpu.memory_space<semaphore_mem>>) src(%dma_wait3A_18 : memref<10000x128xf32, #tpu.memory_space<hbm>>) dst(%arg11 : memref<128x128xf32, #tpu.memory_space<vmem>>)
    %dma_start3A_19 = arith.constant 0 : i32
    %dma_start3A_20 = arith.constant 0 : i32
    %dma_start3A_21 = tpu.memref_slice %arg13[%dma_start3A_19, %dma_start3A_20] : memref<10112x128xf32, #tpu.memory_space<vmem_shared>> -> memref<10112x128xf32, #tpu.memory_space<vmem_shared>>
    tpu.enqueue_indirect_dma source(%arg11 : memref<128x128xf32, #tpu.memory_space<vmem>>) target(%dma_start3A_21 : memref<10112x128xf32, #tpu.memory_space<vmem_shared>>) offsets(%arg9 : memref<128xi32, #tpu.memory_space<vmem>>) semaphore(%arg15 : memref<!tpu.dma_semaphore, #tpu.memory_space<semaphore_mem>>) {add = true}
    %add3A_22 = arith.constant 128 : i32
    %add3A_23 = arith.addi %mul3A_12, %add3A_22 : i32
    "tpu.region"() ({
      %run_scoped3A = tpu.sem_alloc : memref<!tpu.dma_semaphore, #tpu.memory_space<semaphore_mem>>
      %dma_start3A_60 = tpu.memref_slice %arg3[%add3A_23] : memref<323584xi32, #tpu.memory_space<hbm>> -> memref<128xi32, #tpu.memory_space<hbm>>
      %dma_start3A_61 = tpu.memref_slice %arg3[%add3A_23] : memref<323584xi32, #tpu.memory_space<hbm>> -> memref<128xi32, #tpu.memory_space<hbm>>
      tpu.enqueue_dma source(%dma_start3A_61 : memref<128xi32, #tpu.memory_space<hbm>>) target(%arg8 : memref<128xi32, #tpu.memory_space<vmem>>) target_semaphore(%run_scoped3A : memref<!tpu.dma_semaphore, #tpu.memory_space<semaphore_mem>>)
      %dma_wait3A_62 = tpu.memref_slice %arg3[%add3A_23] : memref<323584xi32, #tpu.memory_space<hbm>> -> memref<128xi32, #tpu.memory_space<hbm>>
      %dma_wait3A_63 = tpu.memref_slice %arg3[%add3A_23] : memref<323584xi32, #tpu.memory_space<hbm>> -> memref<128xi32, #tpu.memory_space<hbm>>
      tpu.wait_dma2 semaphore(%run_scoped3A : memref<!tpu.dma_semaphore, #tpu.memory_space<semaphore_mem>>) src(%dma_wait3A_63 : memref<128xi32, #tpu.memory_space<hbm>>) dst(%arg8 : memref<128xi32, #tpu.memory_space<vmem>>)
      tpu.yield
    }) : () -> ()
    "tpu.region"() ({
      %run_scoped3A = tpu.sem_alloc : memref<!tpu.dma_semaphore, #tpu.memory_space<semaphore_mem>>
      %dma_start3A_60 = tpu.memref_slice %arg4[%add3A_23] : memref<323584xi32, #tpu.memory_space<hbm>> -> memref<128xi32, #tpu.memory_space<hbm>>
      %dma_start3A_61 = tpu.memref_slice %arg4[%add3A_23] : memref<323584xi32, #tpu.memory_space<hbm>> -> memref<128xi32, #tpu.memory_space<hbm>>
      tpu.enqueue_dma source(%dma_start3A_61 : memref<128xi32, #tpu.memory_space<hbm>>) target(%arg10 : memref<128xi32, #tpu.memory_space<vmem>>) target_semaphore(%run_scoped3A : memref<!tpu.dma_semaphore, #tpu.memory_space<semaphore_mem>>)
      %dma_wait3A_62 = tpu.memref_slice %arg4[%add3A_23] : memref<323584xi32, #tpu.memory_space<hbm>> -> memref<128xi32, #tpu.memory_space<hbm>>
      %dma_wait3A_63 = tpu.memref_slice %arg4[%add3A_23] : memref<323584xi32, #tpu.memory_space<hbm>> -> memref<128xi32, #tpu.memory_space<hbm>>
      tpu.wait_dma2 semaphore(%run_scoped3A : memref<!tpu.dma_semaphore, #tpu.memory_space<semaphore_mem>>) src(%dma_wait3A_63 : memref<128xi32, #tpu.memory_space<hbm>>) dst(%arg10 : memref<128xi32, #tpu.memory_space<vmem>>)
      tpu.yield
    }) : () -> ()
    %dma_start3A_24 = arith.constant 0 : i32
    %dma_start3A_25 = arith.constant 0 : i32
    %dma_start3A_26 = tpu.memref_slice %arg2[%dma_start3A_24, %dma_start3A_25] : memref<10000x128xf32, #tpu.memory_space<hbm>> -> memref<10000x128xf32, #tpu.memory_space<hbm>>
    tpu.enqueue_indirect_dma source(%dma_start3A_26 : memref<10000x128xf32, #tpu.memory_space<hbm>>) target(%arg12 : memref<128x128xf32, #tpu.memory_space<vmem>>) offsets(%arg8 : memref<128xi32, #tpu.memory_space<vmem>>) semaphore(%arg14 : memref<!tpu.dma_semaphore, #tpu.memory_space<semaphore_mem>>)
    %dma_wait3A_27 = arith.constant 0 : i32
    %dma_wait3A_28 = arith.constant 0 : i32
    %dma_wait3A_29 = tpu.memref_slice %arg2[%dma_wait3A_27, %dma_wait3A_28] : memref<10000x128xf32, #tpu.memory_space<hbm>> -> memref<10000x128xf32, #tpu.memory_space<hbm>>
    tpu.wait_indirect_dma semaphore(%arg14 : memref<!tpu.dma_semaphore, #tpu.memory_space<semaphore_mem>>) src(%dma_wait3A_29 : memref<10000x128xf32, #tpu.memory_space<hbm>>) dst(%arg12 : memref<128x128xf32, #tpu.memory_space<vmem>>)
    %dma_start3A_30 = arith.constant 0 : i32
    %dma_start3A_31 = arith.constant 0 : i32
    %dma_start3A_32 = tpu.memref_slice %arg13[%dma_start3A_30, %dma_start3A_31] : memref<10112x128xf32, #tpu.memory_space<vmem_shared>> -> memref<10112x128xf32, #tpu.memory_space<vmem_shared>>
    tpu.enqueue_indirect_dma source(%arg12 : memref<128x128xf32, #tpu.memory_space<vmem>>) target(%dma_start3A_32 : memref<10112x128xf32, #tpu.memory_space<vmem_shared>>) offsets(%arg10 : memref<128xi32, #tpu.memory_space<vmem>>) semaphore(%arg16 : memref<!tpu.dma_semaphore, #tpu.memory_space<semaphore_mem>>) {add = true}
    %sub3A = arith.constant 2 : i32
    %sub3A_33 = arith.subi %select_n3A, %sub3A : i32
    %sub3A_34 = arith.constant 0 : i32
    %sub3A_35 = arith.subi %sub3A_33, %sub3A_34 : i32
    %sub3A_36 = arith.constant 2 : i32
    %sub3A_37 = arith.constant 1 : i32
    %sub3A_38 = arith.subi %sub3A_36, %sub3A_37 : i32
    %add3A_39 = arith.addi %sub3A_35, %sub3A_38 : i32
    %div3A = arith.constant 2 : i32
    %div3A_40 = arith.divsi %add3A_39, %div3A : i32
    %while3A = arith.constant 2 : i32
    %while3A_41 = arith.constant 0 : i32
    %while3A_42 = arith.constant 0 : i32
    %while3A_43 = arith.subi %div3A_40, %while3A_42 : i32
    %while3A_44 = arith.addi %while3A_42, %while3A_43 : i32
    %while3A_45 = arith.constant 1 : i32
    %while3A_46 = arith.divsi %while3A_43, %while3A_45 : i32
    %while3A_47 = arith.muli %while3A_46, %while3A_45 : i32
    %while3A_48 = arith.addi %while3A_42, %while3A_47 : i32
    %while3A_49 = arith.constant 1 : i32
    scf.for %while3A_60 = %while3A_42 to %while3A_48 step %while3A_49  : i32 {
      %mul3A_61 = arith.muli %while3A_60, %while3A : i32
      %add3A_62 = arith.addi %while3A_41, %mul3A_61 : i32
      %add3A_63 = arith.constant 2 : i32
      %add3A_64 = arith.addi %add3A_62, %add3A_63 : i32
      %add3A_65 = arith.constant 0 : i32
      %add3A_66 = arith.addi %add3A_64, %add3A_65 : i32
      %mul3A_67 = arith.constant 128 : i32
      %mul3A_68 = arith.muli %add3A_66, %mul3A_67 : i32
      %add3A_69 = arith.addi %mul3A_12, %mul3A_68 : i32
      %dma_wait3A_70 = arith.constant 0 : i32
      %dma_wait3A_71 = arith.constant 0 : i32
      %dma_wait3A_72 = tpu.memref_slice %arg13[%dma_wait3A_70, %dma_wait3A_71] : memref<10112x128xf32, #tpu.memory_space<vmem_shared>> -> memref<10112x128xf32, #tpu.memory_space<vmem_shared>>
      tpu.wait_indirect_dma semaphore(%arg15 : memref<!tpu.dma_semaphore, #tpu.memory_space<semaphore_mem>>) src(%arg11 : memref<128x128xf32, #tpu.memory_space<vmem>>) dst(%dma_wait3A_72 : memref<10112x128xf32, #tpu.memory_space<vmem_shared>>)
      "tpu.region"() ({
        %run_scoped3A = tpu.sem_alloc : memref<!tpu.dma_semaphore, #tpu.memory_space<semaphore_mem>>
        %dma_start3A_101 = tpu.memref_slice %arg3[%add3A_69] : memref<323584xi32, #tpu.memory_space<hbm>> -> memref<128xi32, #tpu.memory_space<hbm>>
        %dma_start3A_102 = tpu.memref_slice %arg3[%add3A_69] : memref<323584xi32, #tpu.memory_space<hbm>> -> memref<128xi32, #tpu.memory_space<hbm>>
        tpu.enqueue_dma source(%dma_start3A_102 : memref<128xi32, #tpu.memory_space<hbm>>) target(%arg7 : memref<128xi32, #tpu.memory_space<vmem>>) target_semaphore(%run_scoped3A : memref<!tpu.dma_semaphore, #tpu.memory_space<semaphore_mem>>)
        %dma_wait3A_103 = tpu.memref_slice %arg3[%add3A_69] : memref<323584xi32, #tpu.memory_space<hbm>> -> memref<128xi32, #tpu.memory_space<hbm>>
        %dma_wait3A_104 = tpu.memref_slice %arg3[%add3A_69] : memref<323584xi32, #tpu.memory_space<hbm>> -> memref<128xi32, #tpu.memory_space<hbm>>
        tpu.wait_dma2 semaphore(%run_scoped3A : memref<!tpu.dma_semaphore, #tpu.memory_space<semaphore_mem>>) src(%dma_wait3A_104 : memref<128xi32, #tpu.memory_space<hbm>>) dst(%arg7 : memref<128xi32, #tpu.memory_space<vmem>>)
        tpu.yield
      }) : () -> ()
      "tpu.region"() ({
        %run_scoped3A = tpu.sem_alloc : memref<!tpu.dma_semaphore, #tpu.memory_space<semaphore_mem>>
        %dma_start3A_101 = tpu.memref_slice %arg4[%add3A_69] : memref<323584xi32, #tpu.memory_space<hbm>> -> memref<128xi32, #tpu.memory_space<hbm>>
        %dma_start3A_102 = tpu.memref_slice %arg4[%add3A_69] : memref<323584xi32, #tpu.memory_space<hbm>> -> memref<128xi32, #tpu.memory_space<hbm>>
        tpu.enqueue_dma source(%dma_start3A_102 : memref<128xi32, #tpu.memory_space<hbm>>) target(%arg9 : memref<128xi32, #tpu.memory_space<vmem>>) target_semaphore(%run_scoped3A : memref<!tpu.dma_semaphore, #tpu.memory_space<semaphore_mem>>)
        %dma_wait3A_103 = tpu.memref_slice %arg4[%add3A_69] : memref<323584xi32, #tpu.memory_space<hbm>> -> memref<128xi32, #tpu.memory_space<hbm>>
        %dma_wait3A_104 = tpu.memref_slice %arg4[%add3A_69] : memref<323584xi32, #tpu.memory_space<hbm>> -> memref<128xi32, #tpu.memory_space<hbm>>
        tpu.wait_dma2 semaphore(%run_scoped3A : memref<!tpu.dma_semaphore, #tpu.memory_space<semaphore_mem>>) src(%dma_wait3A_104 : memref<128xi32, #tpu.memory_space<hbm>>) dst(%arg9 : memref<128xi32, #tpu.memory_space<vmem>>)
        tpu.yield
      }) : () -> ()
      %dma_start3A_73 = arith.constant 0 : i32
      %dma_start3A_74 = arith.constant 0 : i32
      %dma_start3A_75 = tpu.memref_slice %arg2[%dma_start3A_73, %dma_start3A_74] : memref<10000x128xf32, #tpu.memory_space<hbm>> -> memref<10000x128xf32, #tpu.memory_space<hbm>>
      tpu.enqueue_indirect_dma source(%dma_start3A_75 : memref<10000x128xf32, #tpu.memory_space<hbm>>) target(%arg11 : memref<128x128xf32, #tpu.memory_space<vmem>>) offsets(%arg7 : memref<128xi32, #tpu.memory_space<vmem>>) semaphore(%arg14 : memref<!tpu.dma_semaphore, #tpu.memory_space<semaphore_mem>>)
      %dma_wait3A_76 = arith.constant 0 : i32
      %dma_wait3A_77 = arith.constant 0 : i32
      %dma_wait3A_78 = tpu.memref_slice %arg2[%dma_wait3A_76, %dma_wait3A_77] : memref<10000x128xf32, #tpu.memory_space<hbm>> -> memref<10000x128xf32, #tpu.memory_space<hbm>>
      tpu.wait_indirect_dma semaphore(%arg14 : memref<!tpu.dma_semaphore, #tpu.memory_space<semaphore_mem>>) src(%dma_wait3A_78 : memref<10000x128xf32, #tpu.memory_space<hbm>>) dst(%arg11 : memref<128x128xf32, #tpu.memory_space<vmem>>)
      %dma_start3A_79 = arith.constant 0 : i32
      %dma_start3A_80 = arith.constant 0 : i32
      %dma_start3A_81 = tpu.memref_slice %arg13[%dma_start3A_79, %dma_start3A_80] : memref<10112x128xf32, #tpu.memory_space<vmem_shared>> -> memref<10112x128xf32, #tpu.memory_space<vmem_shared>>
      tpu.enqueue_indirect_dma source(%arg11 : memref<128x128xf32, #tpu.memory_space<vmem>>) target(%dma_start3A_81 : memref<10112x128xf32, #tpu.memory_space<vmem_shared>>) offsets(%arg9 : memref<128xi32, #tpu.memory_space<vmem>>) semaphore(%arg15 : memref<!tpu.dma_semaphore, #tpu.memory_space<semaphore_mem>>) {add = true}
      %add3A_82 = arith.constant 2 : i32
      %add3A_83 = arith.addi %add3A_62, %add3A_82 : i32
      %add3A_84 = arith.constant 1 : i32
      %add3A_85 = arith.addi %add3A_83, %add3A_84 : i32
      %mul3A_86 = arith.constant 128 : i32
      %mul3A_87 = arith.muli %add3A_85, %mul3A_86 : i32
      %add3A_88 = arith.addi %mul3A_12, %mul3A_87 : i32
      %dma_wait3A_89 = arith.constant 0 : i32
      %dma_wait3A_90 = arith.constant 0 : i32
      %dma_wait3A_91 = tpu.memref_slice %arg13[%dma_wait3A_89, %dma_wait3A_90] : memref<10112x128xf32, #tpu.memory_space<vmem_shared>> -> memref<10112x128xf32, #tpu.memory_space<vmem_shared>>
      tpu.wait_indirect_dma semaphore(%arg16 : memref<!tpu.dma_semaphore, #tpu.memory_space<semaphore_mem>>) src(%arg12 : memref<128x128xf32, #tpu.memory_space<vmem>>) dst(%dma_wait3A_91 : memref<10112x128xf32, #tpu.memory_space<vmem_shared>>)
      "tpu.region"() ({
        %run_scoped3A = tpu.sem_alloc : memref<!tpu.dma_semaphore, #tpu.memory_space<semaphore_mem>>
        %dma_start3A_101 = tpu.memref_slice %arg3[%add3A_88] : memref<323584xi32, #tpu.memory_space<hbm>> -> memref<128xi32, #tpu.memory_space<hbm>>
        %dma_start3A_102 = tpu.memref_slice %arg3[%add3A_88] : memref<323584xi32, #tpu.memory_space<hbm>> -> memref<128xi32, #tpu.memory_space<hbm>>
        tpu.enqueue_dma source(%dma_start3A_102 : memref<128xi32, #tpu.memory_space<hbm>>) target(%arg8 : memref<128xi32, #tpu.memory_space<vmem>>) target_semaphore(%run_scoped3A : memref<!tpu.dma_semaphore, #tpu.memory_space<semaphore_mem>>)
        %dma_wait3A_103 = tpu.memref_slice %arg3[%add3A_88] : memref<323584xi32, #tpu.memory_space<hbm>> -> memref<128xi32, #tpu.memory_space<hbm>>
        %dma_wait3A_104 = tpu.memref_slice %arg3[%add3A_88] : memref<323584xi32, #tpu.memory_space<hbm>> -> memref<128xi32, #tpu.memory_space<hbm>>
        tpu.wait_dma2 semaphore(%run_scoped3A : memref<!tpu.dma_semaphore, #tpu.memory_space<semaphore_mem>>) src(%dma_wait3A_104 : memref<128xi32, #tpu.memory_space<hbm>>) dst(%arg8 : memref<128xi32, #tpu.memory_space<vmem>>)
        tpu.yield
      }) : () -> ()
      "tpu.region"() ({
        %run_scoped3A = tpu.sem_alloc : memref<!tpu.dma_semaphore, #tpu.memory_space<semaphore_mem>>
        %dma_start3A_101 = tpu.memref_slice %arg4[%add3A_88] : memref<323584xi32, #tpu.memory_space<hbm>> -> memref<128xi32, #tpu.memory_space<hbm>>
        %dma_start3A_102 = tpu.memref_slice %arg4[%add3A_88] : memref<323584xi32, #tpu.memory_space<hbm>> -> memref<128xi32, #tpu.memory_space<hbm>>
        tpu.enqueue_dma source(%dma_start3A_102 : memref<128xi32, #tpu.memory_space<hbm>>) target(%arg10 : memref<128xi32, #tpu.memory_space<vmem>>) target_semaphore(%run_scoped3A : memref<!tpu.dma_semaphore, #tpu.memory_space<semaphore_mem>>)
        %dma_wait3A_103 = tpu.memref_slice %arg4[%add3A_88] : memref<323584xi32, #tpu.memory_space<hbm>> -> memref<128xi32, #tpu.memory_space<hbm>>
        %dma_wait3A_104 = tpu.memref_slice %arg4[%add3A_88] : memref<323584xi32, #tpu.memory_space<hbm>> -> memref<128xi32, #tpu.memory_space<hbm>>
        tpu.wait_dma2 semaphore(%run_scoped3A : memref<!tpu.dma_semaphore, #tpu.memory_space<semaphore_mem>>) src(%dma_wait3A_104 : memref<128xi32, #tpu.memory_space<hbm>>) dst(%arg10 : memref<128xi32, #tpu.memory_space<vmem>>)
        tpu.yield
      }) : () -> ()
      %dma_start3A_92 = arith.constant 0 : i32
      %dma_start3A_93 = arith.constant 0 : i32
      %dma_start3A_94 = tpu.memref_slice %arg2[%dma_start3A_92, %dma_start3A_93] : memref<10000x128xf32, #tpu.memory_space<hbm>> -> memref<10000x128xf32, #tpu.memory_space<hbm>>
      tpu.enqueue_indirect_dma source(%dma_start3A_94 : memref<10000x128xf32, #tpu.memory_space<hbm>>) target(%arg12 : memref<128x128xf32, #tpu.memory_space<vmem>>) offsets(%arg8 : memref<128xi32, #tpu.memory_space<vmem>>) semaphore(%arg14 : memref<!tpu.dma_semaphore, #tpu.memory_space<semaphore_mem>>)
      %dma_wait3A_95 = arith.constant 0 : i32
      %dma_wait3A_96 = arith.constant 0 : i32
      %dma_wait3A_97 = tpu.memref_slice %arg2[%dma_wait3A_95, %dma_wait3A_96] : memref<10000x128xf32, #tpu.memory_space<hbm>> -> memref<10000x128xf32, #tpu.memory_space<hbm>>
      tpu.wait_indirect_dma semaphore(%arg14 : memref<!tpu.dma_semaphore, #tpu.memory_space<semaphore_mem>>) src(%dma_wait3A_97 : memref<10000x128xf32, #tpu.memory_space<hbm>>) dst(%arg12 : memref<128x128xf32, #tpu.memory_space<vmem>>)
      %dma_start3A_98 = arith.constant 0 : i32
      %dma_start3A_99 = arith.constant 0 : i32
      %dma_start3A_100 = tpu.memref_slice %arg13[%dma_start3A_98, %dma_start3A_99] : memref<10112x128xf32, #tpu.memory_space<vmem_shared>> -> memref<10112x128xf32, #tpu.memory_space<vmem_shared>>
      tpu.enqueue_indirect_dma source(%arg12 : memref<128x128xf32, #tpu.memory_space<vmem>>) target(%dma_start3A_100 : memref<10112x128xf32, #tpu.memory_space<vmem_shared>>) offsets(%arg10 : memref<128xi32, #tpu.memory_space<vmem>>) semaphore(%arg16 : memref<!tpu.dma_semaphore, #tpu.memory_space<semaphore_mem>>) {add = true}
    }
    %while3A_50 = arith.constant 1 : i32
    scf.for %while3A_60 = %while3A_48 to %while3A_44 step %while3A_50  : i32 {
      %mul3A_61 = arith.muli %while3A_60, %while3A : i32
      %add3A_62 = arith.addi %while3A_41, %mul3A_61 : i32
      %add3A_63 = arith.constant 2 : i32
      %add3A_64 = arith.addi %add3A_62, %add3A_63 : i32
      %add3A_65 = arith.constant 0 : i32
      %add3A_66 = arith.addi %add3A_64, %add3A_65 : i32
      %mul3A_67 = arith.constant 128 : i32
      %mul3A_68 = arith.muli %add3A_66, %mul3A_67 : i32
      %add3A_69 = arith.addi %mul3A_12, %mul3A_68 : i32
      %dma_wait3A_70 = arith.constant 0 : i32
      %dma_wait3A_71 = arith.constant 0 : i32
      %dma_wait3A_72 = tpu.memref_slice %arg13[%dma_wait3A_70, %dma_wait3A_71] : memref<10112x128xf32, #tpu.memory_space<vmem_shared>> -> memref<10112x128xf32, #tpu.memory_space<vmem_shared>>
      tpu.wait_indirect_dma semaphore(%arg15 : memref<!tpu.dma_semaphore, #tpu.memory_space<semaphore_mem>>) src(%arg11 : memref<128x128xf32, #tpu.memory_space<vmem>>) dst(%dma_wait3A_72 : memref<10112x128xf32, #tpu.memory_space<vmem_shared>>)
      "tpu.region"() ({
        %run_scoped3A = tpu.sem_alloc : memref<!tpu.dma_semaphore, #tpu.memory_space<semaphore_mem>>
        %dma_start3A_101 = tpu.memref_slice %arg3[%add3A_69] : memref<323584xi32, #tpu.memory_space<hbm>> -> memref<128xi32, #tpu.memory_space<hbm>>
        %dma_start3A_102 = tpu.memref_slice %arg3[%add3A_69] : memref<323584xi32, #tpu.memory_space<hbm>> -> memref<128xi32, #tpu.memory_space<hbm>>
        tpu.enqueue_dma source(%dma_start3A_102 : memref<128xi32, #tpu.memory_space<hbm>>) target(%arg7 : memref<128xi32, #tpu.memory_space<vmem>>) target_semaphore(%run_scoped3A : memref<!tpu.dma_semaphore, #tpu.memory_space<semaphore_mem>>)
        %dma_wait3A_103 = tpu.memref_slice %arg3[%add3A_69] : memref<323584xi32, #tpu.memory_space<hbm>> -> memref<128xi32, #tpu.memory_space<hbm>>
        %dma_wait3A_104 = tpu.memref_slice %arg3[%add3A_69] : memref<323584xi32, #tpu.memory_space<hbm>> -> memref<128xi32, #tpu.memory_space<hbm>>
        tpu.wait_dma2 semaphore(%run_scoped3A : memref<!tpu.dma_semaphore, #tpu.memory_space<semaphore_mem>>) src(%dma_wait3A_104 : memref<128xi32, #tpu.memory_space<hbm>>) dst(%arg7 : memref<128xi32, #tpu.memory_space<vmem>>)
        tpu.yield
      }) : () -> ()
      "tpu.region"() ({
        %run_scoped3A = tpu.sem_alloc : memref<!tpu.dma_semaphore, #tpu.memory_space<semaphore_mem>>
        %dma_start3A_101 = tpu.memref_slice %arg4[%add3A_69] : memref<323584xi32, #tpu.memory_space<hbm>> -> memref<128xi32, #tpu.memory_space<hbm>>
        %dma_start3A_102 = tpu.memref_slice %arg4[%add3A_69] : memref<323584xi32, #tpu.memory_space<hbm>> -> memref<128xi32, #tpu.memory_space<hbm>>
        tpu.enqueue_dma source(%dma_start3A_102 : memref<128xi32, #tpu.memory_space<hbm>>) target(%arg9 : memref<128xi32, #tpu.memory_space<vmem>>) target_semaphore(%run_scoped3A : memref<!tpu.dma_semaphore, #tpu.memory_space<semaphore_mem>>)
        %dma_wait3A_103 = tpu.memref_slice %arg4[%add3A_69] : memref<323584xi32, #tpu.memory_space<hbm>> -> memref<128xi32, #tpu.memory_space<hbm>>
        %dma_wait3A_104 = tpu.memref_slice %arg4[%add3A_69] : memref<323584xi32, #tpu.memory_space<hbm>> -> memref<128xi32, #tpu.memory_space<hbm>>
        tpu.wait_dma2 semaphore(%run_scoped3A : memref<!tpu.dma_semaphore, #tpu.memory_space<semaphore_mem>>) src(%dma_wait3A_104 : memref<128xi32, #tpu.memory_space<hbm>>) dst(%arg9 : memref<128xi32, #tpu.memory_space<vmem>>)
        tpu.yield
      }) : () -> ()
      %dma_start3A_73 = arith.constant 0 : i32
      %dma_start3A_74 = arith.constant 0 : i32
      %dma_start3A_75 = tpu.memref_slice %arg2[%dma_start3A_73, %dma_start3A_74] : memref<10000x128xf32, #tpu.memory_space<hbm>> -> memref<10000x128xf32, #tpu.memory_space<hbm>>
      tpu.enqueue_indirect_dma source(%dma_start3A_75 : memref<10000x128xf32, #tpu.memory_space<hbm>>) target(%arg11 : memref<128x128xf32, #tpu.memory_space<vmem>>) offsets(%arg7 : memref<128xi32, #tpu.memory_space<vmem>>) semaphore(%arg14 : memref<!tpu.dma_semaphore, #tpu.memory_space<semaphore_mem>>)
      %dma_wait3A_76 = arith.constant 0 : i32
      %dma_wait3A_77 = arith.constant 0 : i32
      %dma_wait3A_78 = tpu.memref_slice %arg2[%dma_wait3A_76, %dma_wait3A_77] : memref<10000x128xf32, #tpu.memory_space<hbm>> -> memref<10000x128xf32, #tpu.memory_space<hbm>>
      tpu.wait_indirect_dma semaphore(%arg14 : memref<!tpu.dma_semaphore, #tpu.memory_space<semaphore_mem>>) src(%dma_wait3A_78 : memref<10000x128xf32, #tpu.memory_space<hbm>>) dst(%arg11 : memref<128x128xf32, #tpu.memory_space<vmem>>)
      %dma_start3A_79 = arith.constant 0 : i32
      %dma_start3A_80 = arith.constant 0 : i32
      %dma_start3A_81 = tpu.memref_slice %arg13[%dma_start3A_79, %dma_start3A_80] : memref<10112x128xf32, #tpu.memory_space<vmem_shared>> -> memref<10112x128xf32, #tpu.memory_space<vmem_shared>>
      tpu.enqueue_indirect_dma source(%arg11 : memref<128x128xf32, #tpu.memory_space<vmem>>) target(%dma_start3A_81 : memref<10112x128xf32, #tpu.memory_space<vmem_shared>>) offsets(%arg9 : memref<128xi32, #tpu.memory_space<vmem>>) semaphore(%arg15 : memref<!tpu.dma_semaphore, #tpu.memory_space<semaphore_mem>>) {add = true}
      %add3A_82 = arith.constant 2 : i32
      %add3A_83 = arith.addi %add3A_62, %add3A_82 : i32
      %add3A_84 = arith.constant 1 : i32
      %add3A_85 = arith.addi %add3A_83, %add3A_84 : i32
      %mul3A_86 = arith.constant 128 : i32
      %mul3A_87 = arith.muli %add3A_85, %mul3A_86 : i32
      %add3A_88 = arith.addi %mul3A_12, %mul3A_87 : i32
      %dma_wait3A_89 = arith.constant 0 : i32
      %dma_wait3A_90 = arith.constant 0 : i32
      %dma_wait3A_91 = tpu.memref_slice %arg13[%dma_wait3A_89, %dma_wait3A_90] : memref<10112x128xf32, #tpu.memory_space<vmem_shared>> -> memref<10112x128xf32, #tpu.memory_space<vmem_shared>>
      tpu.wait_indirect_dma semaphore(%arg16 : memref<!tpu.dma_semaphore, #tpu.memory_space<semaphore_mem>>) src(%arg12 : memref<128x128xf32, #tpu.memory_space<vmem>>) dst(%dma_wait3A_91 : memref<10112x128xf32, #tpu.memory_space<vmem_shared>>)
      "tpu.region"() ({
        %run_scoped3A = tpu.sem_alloc : memref<!tpu.dma_semaphore, #tpu.memory_space<semaphore_mem>>
        %dma_start3A_101 = tpu.memref_slice %arg3[%add3A_88] : memref<323584xi32, #tpu.memory_space<hbm>> -> memref<128xi32, #tpu.memory_space<hbm>>
        %dma_start3A_102 = tpu.memref_slice %arg3[%add3A_88] : memref<323584xi32, #tpu.memory_space<hbm>> -> memref<128xi32, #tpu.memory_space<hbm>>
        tpu.enqueue_dma source(%dma_start3A_102 : memref<128xi32, #tpu.memory_space<hbm>>) target(%arg8 : memref<128xi32, #tpu.memory_space<vmem>>) target_semaphore(%run_scoped3A : memref<!tpu.dma_semaphore, #tpu.memory_space<semaphore_mem>>)
        %dma_wait3A_103 = tpu.memref_slice %arg3[%add3A_88] : memref<323584xi32, #tpu.memory_space<hbm>> -> memref<128xi32, #tpu.memory_space<hbm>>
        %dma_wait3A_104 = tpu.memref_slice %arg3[%add3A_88] : memref<323584xi32, #tpu.memory_space<hbm>> -> memref<128xi32, #tpu.memory_space<hbm>>
        tpu.wait_dma2 semaphore(%run_scoped3A : memref<!tpu.dma_semaphore, #tpu.memory_space<semaphore_mem>>) src(%dma_wait3A_104 : memref<128xi32, #tpu.memory_space<hbm>>) dst(%arg8 : memref<128xi32, #tpu.memory_space<vmem>>)
        tpu.yield
      }) : () -> ()
      "tpu.region"() ({
        %run_scoped3A = tpu.sem_alloc : memref<!tpu.dma_semaphore, #tpu.memory_space<semaphore_mem>>
        %dma_start3A_101 = tpu.memref_slice %arg4[%add3A_88] : memref<323584xi32, #tpu.memory_space<hbm>> -> memref<128xi32, #tpu.memory_space<hbm>>
        %dma_start3A_102 = tpu.memref_slice %arg4[%add3A_88] : memref<323584xi32, #tpu.memory_space<hbm>> -> memref<128xi32, #tpu.memory_space<hbm>>
        tpu.enqueue_dma source(%dma_start3A_102 : memref<128xi32, #tpu.memory_space<hbm>>) target(%arg10 : memref<128xi32, #tpu.memory_space<vmem>>) target_semaphore(%run_scoped3A : memref<!tpu.dma_semaphore, #tpu.memory_space<semaphore_mem>>)
        %dma_wait3A_103 = tpu.memref_slice %arg4[%add3A_88] : memref<323584xi32, #tpu.memory_space<hbm>> -> memref<128xi32, #tpu.memory_space<hbm>>
        %dma_wait3A_104 = tpu.memref_slice %arg4[%add3A_88] : memref<323584xi32, #tpu.memory_space<hbm>> -> memref<128xi32, #tpu.memory_space<hbm>>
        tpu.wait_dma2 semaphore(%run_scoped3A : memref<!tpu.dma_semaphore, #tpu.memory_space<semaphore_mem>>) src(%dma_wait3A_104 : memref<128xi32, #tpu.memory_space<hbm>>) dst(%arg10 : memref<128xi32, #tpu.memory_space<vmem>>)
        tpu.yield
      }) : () -> ()
      %dma_start3A_92 = arith.constant 0 : i32
      %dma_start3A_93 = arith.constant 0 : i32
      %dma_start3A_94 = tpu.memref_slice %arg2[%dma_start3A_92, %dma_start3A_93] : memref<10000x128xf32, #tpu.memory_space<hbm>> -> memref<10000x128xf32, #tpu.memory_space<hbm>>
      tpu.enqueue_indirect_dma source(%dma_start3A_94 : memref<10000x128xf32, #tpu.memory_space<hbm>>) target(%arg12 : memref<128x128xf32, #tpu.memory_space<vmem>>) offsets(%arg8 : memref<128xi32, #tpu.memory_space<vmem>>) semaphore(%arg14 : memref<!tpu.dma_semaphore, #tpu.memory_space<semaphore_mem>>)
      %dma_wait3A_95 = arith.constant 0 : i32
      %dma_wait3A_96 = arith.constant 0 : i32
      %dma_wait3A_97 = tpu.memref_slice %arg2[%dma_wait3A_95, %dma_wait3A_96] : memref<10000x128xf32, #tpu.memory_space<hbm>> -> memref<10000x128xf32, #tpu.memory_space<hbm>>
      tpu.wait_indirect_dma semaphore(%arg14 : memref<!tpu.dma_semaphore, #tpu.memory_space<semaphore_mem>>) src(%dma_wait3A_97 : memref<10000x128xf32, #tpu.memory_space<hbm>>) dst(%arg12 : memref<128x128xf32, #tpu.memory_space<vmem>>)
      %dma_start3A_98 = arith.constant 0 : i32
      %dma_start3A_99 = arith.constant 0 : i32
      %dma_start3A_100 = tpu.memref_slice %arg13[%dma_start3A_98, %dma_start3A_99] : memref<10112x128xf32, #tpu.memory_space<vmem_shared>> -> memref<10112x128xf32, #tpu.memory_space<vmem_shared>>
      tpu.enqueue_indirect_dma source(%arg12 : memref<128x128xf32, #tpu.memory_space<vmem>>) target(%dma_start3A_100 : memref<10112x128xf32, #tpu.memory_space<vmem_shared>>) offsets(%arg10 : memref<128xi32, #tpu.memory_space<vmem>>) semaphore(%arg16 : memref<!tpu.dma_semaphore, #tpu.memory_space<semaphore_mem>>) {add = true}
    }
    %dma_wait3A_51 = arith.constant 0 : i32
    %dma_wait3A_52 = arith.constant 0 : i32
    %dma_wait3A_53 = tpu.memref_slice %arg13[%dma_wait3A_51, %dma_wait3A_52] : memref<10112x128xf32, #tpu.memory_space<vmem_shared>> -> memref<10112x128xf32, #tpu.memory_space<vmem_shared>>
    tpu.wait_indirect_dma semaphore(%arg15 : memref<!tpu.dma_semaphore, #tpu.memory_space<semaphore_mem>>) src(%arg11 : memref<128x128xf32, #tpu.memory_space<vmem>>) dst(%dma_wait3A_53 : memref<10112x128xf32, #tpu.memory_space<vmem_shared>>)
    %dma_wait3A_54 = arith.constant 0 : i32
    %dma_wait3A_55 = arith.constant 0 : i32
    %dma_wait3A_56 = tpu.memref_slice %arg13[%dma_wait3A_54, %dma_wait3A_55] : memref<10112x128xf32, #tpu.memory_space<vmem_shared>> -> memref<10112x128xf32, #tpu.memory_space<vmem_shared>>
    tpu.wait_indirect_dma semaphore(%arg16 : memref<!tpu.dma_semaphore, #tpu.memory_space<semaphore_mem>>) src(%arg12 : memref<128x128xf32, #tpu.memory_space<vmem>>) dst(%dma_wait3A_56 : memref<10112x128xf32, #tpu.memory_space<vmem_shared>>)
    %barrier3A_57 = arith.constant 0 : index
    tpu.barrier barrier_id(%barrier3A_57)
    %mul3A_58 = arith.constant 632 : i32
    %mul3A_59 = arith.muli %arg1, %mul3A_58 : i32
    "tpu.region"() ({
      %run_scoped3A = tpu.sem_alloc : memref<!tpu.dma_semaphore, #tpu.memory_space<semaphore_mem>>
      %dma_start3A_60 = arith.constant 0 : i32
      %dma_start3A_61 = tpu.memref_slice %arg6[%arg0, %mul3A_59, %dma_start3A_60] : memref<2x10112x128xf32, #tpu.memory_space<hbm>> -> memref<1x632x128xf32, #tpu.memory_space<hbm>>
      %dma_start3A_62 = tpu.memref_squeeze %dma_start3A_61 : memref<1x632x128xf32, #tpu.memory_space<hbm>> -> memref<632x128xf32, #tpu.memory_space<hbm>>
      %dma_start3A_63 = arith.constant 0 : i32
      %dma_start3A_64 = tpu.memref_slice %arg13[%mul3A_59, %dma_start3A_63] : memref<10112x128xf32, #tpu.memory_space<vmem_shared>> -> memref<632x128xf32, #tpu.memory_space<vmem_shared>>
      tpu.enqueue_dma source(%dma_start3A_64 : memref<632x128xf32, #tpu.memory_space<vmem_shared>>) target(%dma_start3A_62 : memref<632x128xf32, #tpu.memory_space<hbm>>) target_semaphore(%run_scoped3A : memref<!tpu.dma_semaphore, #tpu.memory_space<semaphore_mem>>)
      %dma_wait3A_65 = arith.constant 0 : i32
      %dma_wait3A_66 = tpu.memref_slice %arg6[%arg0, %mul3A_59, %dma_wait3A_65] : memref<2x10112x128xf32, #tpu.memory_space<hbm>> -> memref<1x632x128xf32, #tpu.memory_space<hbm>>
      %dma_wait3A_67 = tpu.memref_squeeze %dma_wait3A_66 : memref<1x632x128xf32, #tpu.memory_space<hbm>> -> memref<632x128xf32, #tpu.memory_space<hbm>>
      %dma_wait3A_68 = arith.constant 0 : i32
      %dma_wait3A_69 = tpu.memref_slice %arg13[%mul3A_59, %dma_wait3A_68] : memref<10112x128xf32, #tpu.memory_space<vmem_shared>> -> memref<632x128xf32, #tpu.memory_space<vmem_shared>>
      tpu.wait_dma2 semaphore(%run_scoped3A : memref<!tpu.dma_semaphore, #tpu.memory_space<semaphore_mem>>) src(%dma_wait3A_69 : memref<632x128xf32, #tpu.memory_space<vmem_shared>>) dst(%dma_wait3A_67 : memref<632x128xf32, #tpu.memory_space<hbm>>)
      tpu.yield
    }) : () -> ()
    return
  }
}

#map = affine_map<(d0, d1) -> (0, 0)>
#map1 = affine_map<(d0, d1) -> (0)>
#map2 = affine_map<(d0, d1) -> (0, 0, 0)>
module attributes {stable_mosaic.version = 14 : i64} {
  func.func @_agg_body(%arg0: i32, %arg1: i32, %arg2: memref<10000x128xf32, #tpu.memory_space<hbm>>, %arg3: memref<323584xi32, #tpu.memory_space<hbm>>, %arg4: memref<323584xi32, #tpu.memory_space<hbm>>, %arg5: memref<632x128xf32, #tpu.memory_space<hbm>>, %arg6: memref<2x10112x128xf32, #tpu.memory_space<hbm>>, %arg7: memref<128xi32, #tpu.memory_space<vmem>>, %arg8: memref<128xi32, #tpu.memory_space<vmem>>, %arg9: memref<128xi32, #tpu.memory_space<vmem>>, %arg10: memref<128xi32, #tpu.memory_space<vmem>>, %arg11: memref<128x128xf32, #tpu.memory_space<vmem>>, %arg12: memref<128x128xf32, #tpu.memory_space<vmem>>, %arg13: memref<10112x128xf32, #tpu.memory_space<vmem_shared>>, %arg14: memref<!tpu.dma_semaphore, #tpu.memory_space<semaphore_mem>>, %arg15: memref<!tpu.dma_semaphore, #tpu.memory_space<semaphore_mem>>, %arg16: memref<!tpu.dma_semaphore, #tpu.memory_space<semaphore_mem>>) attributes {dimension_semantics = [#tpu.dimension_semantics<core_parallel>, #tpu.dimension_semantics<subcore_parallel>], iteration_bounds = array<i64: 2, 16>, scalar_prefetch = 0 : i64, scratch_operands = 10 : i64, tpu.core_type = #tpu.core_type<sc_vector_subcore>, window_params = [{transform_indices = #map}, {transform_indices = #map1}, {transform_indices = #map1}, {transform_indices = #map}, {transform_indices = #map2}]} {
    %mul3A = arith.constant 632 : i32
    %mul3A_0 = arith.muli %arg1, %mul3A : i32
    "tpu.region"() ({
      %run_scoped3A = tpu.sem_alloc : memref<!tpu.dma_semaphore, #tpu.memory_space<semaphore_mem>>
      %dma_start3A_60 = arith.constant 0 : i32
      %dma_start3A_61 = tpu.memref_slice %arg13[%mul3A_0, %dma_start3A_60] : memref<10112x128xf32, #tpu.memory_space<vmem_shared>> -> memref<632x128xf32, #tpu.memory_space<vmem_shared>>
      tpu.enqueue_dma source(%arg5 : memref<632x128xf32, #tpu.memory_space<hbm>>) target(%dma_start3A_61 : memref<632x128xf32, #tpu.memory_space<vmem_shared>>) target_semaphore(%run_scoped3A : memref<!tpu.dma_semaphore, #tpu.memory_space<semaphore_mem>>)
      %dma_wait3A_62 = arith.constant 0 : i32
      %dma_wait3A_63 = tpu.memref_slice %arg13[%mul3A_0, %dma_wait3A_62] : memref<10112x128xf32, #tpu.memory_space<vmem_shared>> -> memref<632x128xf32, #tpu.memory_space<vmem_shared>>
      tpu.wait_dma2 semaphore(%run_scoped3A : memref<!tpu.dma_semaphore, #tpu.memory_space<semaphore_mem>>) src(%arg5 : memref<632x128xf32, #tpu.memory_space<hbm>>) dst(%dma_wait3A_63 : memref<632x128xf32, #tpu.memory_space<vmem_shared>>)
      tpu.yield
    }) : () -> ()
    %barrier3A = arith.constant 0 : index
    tpu.barrier barrier_id(%barrier3A)
    %eq3A = arith.constant 0 : i32
    %eq3A_1 = arith.cmpi eq, %arg0, %eq3A : i32
    %jit3A = arith.constant 116 : i32
    %jit3A_2 = arith.constant 42 : i32
    %select_n3A = arith.select %eq3A_1, %jit3A, %jit3A_2 : i32
    %eq3A_3 = arith.constant 0 : i32
    %eq3A_4 = arith.cmpi eq, %arg0, %eq3A_3 : i32
    %mul3A_5 = arith.constant 116 : i32
    %mul3A_6 = arith.muli %arg1, %mul3A_5 : i32
    %mul3A_7 = arith.constant 42 : i32
    %mul3A_8 = arith.muli %arg1, %mul3A_7 : i32
    %add3A = arith.constant 1856 : i32
    %add3A_9 = arith.addi %add3A, %mul3A_8 : i32
    %select_n3A_10 = arith.select %eq3A_4, %mul3A_6, %add3A_9 : i32
    %mul3A_11 = arith.constant 128 : i32
    %mul3A_12 = arith.muli %select_n3A_10, %mul3A_11 : i32
    %add3A_13 = arith.constant 0 : i32
    %add3A_14 = arith.addi %mul3A_12, %add3A_13 : i32
    "tpu.region"() ({
      %run_scoped3A = tpu.sem_alloc : memref<!tpu.dma_semaphore, #tpu.memory_space<semaphore_mem>>
      %dma_start3A_60 = tpu.memref_slice %arg3[%add3A_14] : memref<323584xi32, #tpu.memory_space<hbm>> -> memref<128xi32, #tpu.memory_space<hbm>>
      %dma_start3A_61 = tpu.memref_slice %arg3[%add3A_14] : memref<323584xi32, #tpu.memory_space<hbm>> -> memref<128xi32, #tpu.memory_space<hbm>>
      tpu.enqueue_dma source(%dma_start3A_61 : memref<128xi32, #tpu.memory_space<hbm>>) target(%arg7 : memref<128xi32, #tpu.memory_space<vmem>>) target_semaphore(%run_scoped3A : memref<!tpu.dma_semaphore, #tpu.memory_space<semaphore_mem>>)
      %dma_wait3A_62 = tpu.memref_slice %arg3[%add3A_14] : memref<323584xi32, #tpu.memory_space<hbm>> -> memref<128xi32, #tpu.memory_space<hbm>>
      %dma_wait3A_63 = tpu.memref_slice %arg3[%add3A_14] : memref<323584xi32, #tpu.memory_space<hbm>> -> memref<128xi32, #tpu.memory_space<hbm>>
      tpu.wait_dma2 semaphore(%run_scoped3A : memref<!tpu.dma_semaphore, #tpu.memory_space<semaphore_mem>>) src(%dma_wait3A_63 : memref<128xi32, #tpu.memory_space<hbm>>) dst(%arg7 : memref<128xi32, #tpu.memory_space<vmem>>)
      tpu.yield
    }) : () -> ()
    "tpu.region"() ({
      %run_scoped3A = tpu.sem_alloc : memref<!tpu.dma_semaphore, #tpu.memory_space<semaphore_mem>>
      %dma_start3A_60 = tpu.memref_slice %arg4[%add3A_14] : memref<323584xi32, #tpu.memory_space<hbm>> -> memref<128xi32, #tpu.memory_space<hbm>>
      %dma_start3A_61 = tpu.memref_slice %arg4[%add3A_14] : memref<323584xi32, #tpu.memory_space<hbm>> -> memref<128xi32, #tpu.memory_space<hbm>>
      tpu.enqueue_dma source(%dma_start3A_61 : memref<128xi32, #tpu.memory_space<hbm>>) target(%arg9 : memref<128xi32, #tpu.memory_space<vmem>>) target_semaphore(%run_scoped3A : memref<!tpu.dma_semaphore, #tpu.memory_space<semaphore_mem>>)
      %dma_wait3A_62 = tpu.memref_slice %arg4[%add3A_14] : memref<323584xi32, #tpu.memory_space<hbm>> -> memref<128xi32, #tpu.memory_space<hbm>>
      %dma_wait3A_63 = tpu.memref_slice %arg4[%add3A_14] : memref<323584xi32, #tpu.memory_space<hbm>> -> memref<128xi32, #tpu.memory_space<hbm>>
      tpu.wait_dma2 semaphore(%run_scoped3A : memref<!tpu.dma_semaphore, #tpu.memory_space<semaphore_mem>>) src(%dma_wait3A_63 : memref<128xi32, #tpu.memory_space<hbm>>) dst(%arg9 : memref<128xi32, #tpu.memory_space<vmem>>)
      tpu.yield
    }) : () -> ()
    %dma_start3A = arith.constant 0 : i32
    %dma_start3A_15 = arith.constant 0 : i32
    %dma_start3A_16 = tpu.memref_slice %arg2[%dma_start3A, %dma_start3A_15] : memref<10000x128xf32, #tpu.memory_space<hbm>> -> memref<10000x128xf32, #tpu.memory_space<hbm>>
    tpu.enqueue_indirect_dma source(%dma_start3A_16 : memref<10000x128xf32, #tpu.memory_space<hbm>>) target(%arg11 : memref<128x128xf32, #tpu.memory_space<vmem>>) offsets(%arg7 : memref<128xi32, #tpu.memory_space<vmem>>) semaphore(%arg14 : memref<!tpu.dma_semaphore, #tpu.memory_space<semaphore_mem>>)
    %dma_wait3A = arith.constant 0 : i32
    %dma_wait3A_17 = arith.constant 0 : i32
    %dma_wait3A_18 = tpu.memref_slice %arg2[%dma_wait3A, %dma_wait3A_17] : memref<10000x128xf32, #tpu.memory_space<hbm>> -> memref<10000x128xf32, #tpu.memory_space<hbm>>
    tpu.wait_indirect_dma semaphore(%arg14 : memref<!tpu.dma_semaphore, #tpu.memory_space<semaphore_mem>>) src(%dma_wait3A_18 : memref<10000x128xf32, #tpu.memory_space<hbm>>) dst(%arg11 : memref<128x128xf32, #tpu.memory_space<vmem>>)
    %dma_start3A_19 = arith.constant 0 : i32
    %dma_start3A_20 = arith.constant 0 : i32
    %dma_start3A_21 = tpu.memref_slice %arg13[%dma_start3A_19, %dma_start3A_20] : memref<10112x128xf32, #tpu.memory_space<vmem_shared>> -> memref<10112x128xf32, #tpu.memory_space<vmem_shared>>
    tpu.enqueue_indirect_dma source(%arg11 : memref<128x128xf32, #tpu.memory_space<vmem>>) target(%dma_start3A_21 : memref<10112x128xf32, #tpu.memory_space<vmem_shared>>) offsets(%arg9 : memref<128xi32, #tpu.memory_space<vmem>>) semaphore(%arg15 : memref<!tpu.dma_semaphore, #tpu.memory_space<semaphore_mem>>) {add = true}
    %add3A_22 = arith.constant 128 : i32
    %add3A_23 = arith.addi %mul3A_12, %add3A_22 : i32
    "tpu.region"() ({
      %run_scoped3A = tpu.sem_alloc : memref<!tpu.dma_semaphore, #tpu.memory_space<semaphore_mem>>
      %dma_start3A_60 = tpu.memref_slice %arg3[%add3A_23] : memref<323584xi32, #tpu.memory_space<hbm>> -> memref<128xi32, #tpu.memory_space<hbm>>
      %dma_start3A_61 = tpu.memref_slice %arg3[%add3A_23] : memref<323584xi32, #tpu.memory_space<hbm>> -> memref<128xi32, #tpu.memory_space<hbm>>
      tpu.enqueue_dma source(%dma_start3A_61 : memref<128xi32, #tpu.memory_space<hbm>>) target(%arg8 : memref<128xi32, #tpu.memory_space<vmem>>) target_semaphore(%run_scoped3A : memref<!tpu.dma_semaphore, #tpu.memory_space<semaphore_mem>>)
      %dma_wait3A_62 = tpu.memref_slice %arg3[%add3A_23] : memref<323584xi32, #tpu.memory_space<hbm>> -> memref<128xi32, #tpu.memory_space<hbm>>
      %dma_wait3A_63 = tpu.memref_slice %arg3[%add3A_23] : memref<323584xi32, #tpu.memory_space<hbm>> -> memref<128xi32, #tpu.memory_space<hbm>>
      tpu.wait_dma2 semaphore(%run_scoped3A : memref<!tpu.dma_semaphore, #tpu.memory_space<semaphore_mem>>) src(%dma_wait3A_63 : memref<128xi32, #tpu.memory_space<hbm>>) dst(%arg8 : memref<128xi32, #tpu.memory_space<vmem>>)
      tpu.yield
    }) : () -> ()
    "tpu.region"() ({
      %run_scoped3A = tpu.sem_alloc : memref<!tpu.dma_semaphore, #tpu.memory_space<semaphore_mem>>
      %dma_start3A_60 = tpu.memref_slice %arg4[%add3A_23] : memref<323584xi32, #tpu.memory_space<hbm>> -> memref<128xi32, #tpu.memory_space<hbm>>
      %dma_start3A_61 = tpu.memref_slice %arg4[%add3A_23] : memref<323584xi32, #tpu.memory_space<hbm>> -> memref<128xi32, #tpu.memory_space<hbm>>
      tpu.enqueue_dma source(%dma_start3A_61 : memref<128xi32, #tpu.memory_space<hbm>>) target(%arg10 : memref<128xi32, #tpu.memory_space<vmem>>) target_semaphore(%run_scoped3A : memref<!tpu.dma_semaphore, #tpu.memory_space<semaphore_mem>>)
      %dma_wait3A_62 = tpu.memref_slice %arg4[%add3A_23] : memref<323584xi32, #tpu.memory_space<hbm>> -> memref<128xi32, #tpu.memory_space<hbm>>
      %dma_wait3A_63 = tpu.memref_slice %arg4[%add3A_23] : memref<323584xi32, #tpu.memory_space<hbm>> -> memref<128xi32, #tpu.memory_space<hbm>>
      tpu.wait_dma2 semaphore(%run_scoped3A : memref<!tpu.dma_semaphore, #tpu.memory_space<semaphore_mem>>) src(%dma_wait3A_63 : memref<128xi32, #tpu.memory_space<hbm>>) dst(%arg10 : memref<128xi32, #tpu.memory_space<vmem>>)
      tpu.yield
    }) : () -> ()
    %dma_start3A_24 = arith.constant 0 : i32
    %dma_start3A_25 = arith.constant 0 : i32
    %dma_start3A_26 = tpu.memref_slice %arg2[%dma_start3A_24, %dma_start3A_25] : memref<10000x128xf32, #tpu.memory_space<hbm>> -> memref<10000x128xf32, #tpu.memory_space<hbm>>
    tpu.enqueue_indirect_dma source(%dma_start3A_26 : memref<10000x128xf32, #tpu.memory_space<hbm>>) target(%arg12 : memref<128x128xf32, #tpu.memory_space<vmem>>) offsets(%arg8 : memref<128xi32, #tpu.memory_space<vmem>>) semaphore(%arg14 : memref<!tpu.dma_semaphore, #tpu.memory_space<semaphore_mem>>)
    %dma_wait3A_27 = arith.constant 0 : i32
    %dma_wait3A_28 = arith.constant 0 : i32
    %dma_wait3A_29 = tpu.memref_slice %arg2[%dma_wait3A_27, %dma_wait3A_28] : memref<10000x128xf32, #tpu.memory_space<hbm>> -> memref<10000x128xf32, #tpu.memory_space<hbm>>
    tpu.wait_indirect_dma semaphore(%arg14 : memref<!tpu.dma_semaphore, #tpu.memory_space<semaphore_mem>>) src(%dma_wait3A_29 : memref<10000x128xf32, #tpu.memory_space<hbm>>) dst(%arg12 : memref<128x128xf32, #tpu.memory_space<vmem>>)
    %dma_start3A_30 = arith.constant 0 : i32
    %dma_start3A_31 = arith.constant 0 : i32
    %dma_start3A_32 = tpu.memref_slice %arg13[%dma_start3A_30, %dma_start3A_31] : memref<10112x128xf32, #tpu.memory_space<vmem_shared>> -> memref<10112x128xf32, #tpu.memory_space<vmem_shared>>
    tpu.enqueue_indirect_dma source(%arg12 : memref<128x128xf32, #tpu.memory_space<vmem>>) target(%dma_start3A_32 : memref<10112x128xf32, #tpu.memory_space<vmem_shared>>) offsets(%arg10 : memref<128xi32, #tpu.memory_space<vmem>>) semaphore(%arg16 : memref<!tpu.dma_semaphore, #tpu.memory_space<semaphore_mem>>) {add = true}
    %sub3A = arith.constant 2 : i32
    %sub3A_33 = arith.subi %select_n3A, %sub3A : i32
    %sub3A_34 = arith.constant 0 : i32
    %sub3A_35 = arith.subi %sub3A_33, %sub3A_34 : i32
    %sub3A_36 = arith.constant 2 : i32
    %sub3A_37 = arith.constant 1 : i32
    %sub3A_38 = arith.subi %sub3A_36, %sub3A_37 : i32
    %add3A_39 = arith.addi %sub3A_35, %sub3A_38 : i32
    %div3A = arith.constant 2 : i32
    %div3A_40 = arith.divsi %add3A_39, %div3A : i32
    %while3A = arith.constant 2 : i32
    %while3A_41 = arith.constant 0 : i32
    %while3A_42 = arith.constant 0 : i32
    %while3A_43 = arith.subi %div3A_40, %while3A_42 : i32
    %while3A_44 = arith.addi %while3A_42, %while3A_43 : i32
    %while3A_45 = arith.constant 1 : i32
    %while3A_46 = arith.divsi %while3A_43, %while3A_45 : i32
    %while3A_47 = arith.muli %while3A_46, %while3A_45 : i32
    %while3A_48 = arith.addi %while3A_42, %while3A_47 : i32
    %while3A_49 = arith.constant 1 : i32
    scf.for %while3A_60 = %while3A_42 to %while3A_48 step %while3A_49  : i32 {
      %mul3A_61 = arith.muli %while3A_60, %while3A : i32
      %add3A_62 = arith.addi %while3A_41, %mul3A_61 : i32
      %add3A_63 = arith.constant 2 : i32
      %add3A_64 = arith.addi %add3A_62, %add3A_63 : i32
      %add3A_65 = arith.constant 0 : i32
      %add3A_66 = arith.addi %add3A_64, %add3A_65 : i32
      %mul3A_67 = arith.constant 128 : i32
      %mul3A_68 = arith.muli %add3A_66, %mul3A_67 : i32
      %add3A_69 = arith.addi %mul3A_12, %mul3A_68 : i32
      %dma_wait3A_70 = arith.constant 0 : i32
      %dma_wait3A_71 = arith.constant 0 : i32
      %dma_wait3A_72 = tpu.memref_slice %arg13[%dma_wait3A_70, %dma_wait3A_71] : memref<10112x128xf32, #tpu.memory_space<vmem_shared>> -> memref<10112x128xf32, #tpu.memory_space<vmem_shared>>
      tpu.wait_indirect_dma semaphore(%arg15 : memref<!tpu.dma_semaphore, #tpu.memory_space<semaphore_mem>>) src(%arg11 : memref<128x128xf32, #tpu.memory_space<vmem>>) dst(%dma_wait3A_72 : memref<10112x128xf32, #tpu.memory_space<vmem_shared>>)
      "tpu.region"() ({
        %run_scoped3A = tpu.sem_alloc : memref<!tpu.dma_semaphore, #tpu.memory_space<semaphore_mem>>
        %dma_start3A_101 = tpu.memref_slice %arg3[%add3A_69] : memref<323584xi32, #tpu.memory_space<hbm>> -> memref<128xi32, #tpu.memory_space<hbm>>
        %dma_start3A_102 = tpu.memref_slice %arg3[%add3A_69] : memref<323584xi32, #tpu.memory_space<hbm>> -> memref<128xi32, #tpu.memory_space<hbm>>
        tpu.enqueue_dma source(%dma_start3A_102 : memref<128xi32, #tpu.memory_space<hbm>>) target(%arg7 : memref<128xi32, #tpu.memory_space<vmem>>) target_semaphore(%run_scoped3A : memref<!tpu.dma_semaphore, #tpu.memory_space<semaphore_mem>>)
        %dma_wait3A_103 = tpu.memref_slice %arg3[%add3A_69] : memref<323584xi32, #tpu.memory_space<hbm>> -> memref<128xi32, #tpu.memory_space<hbm>>
        %dma_wait3A_104 = tpu.memref_slice %arg3[%add3A_69] : memref<323584xi32, #tpu.memory_space<hbm>> -> memref<128xi32, #tpu.memory_space<hbm>>
        tpu.wait_dma2 semaphore(%run_scoped3A : memref<!tpu.dma_semaphore, #tpu.memory_space<semaphore_mem>>) src(%dma_wait3A_104 : memref<128xi32, #tpu.memory_space<hbm>>) dst(%arg7 : memref<128xi32, #tpu.memory_space<vmem>>)
        tpu.yield
      }) : () -> ()
      "tpu.region"() ({
        %run_scoped3A = tpu.sem_alloc : memref<!tpu.dma_semaphore, #tpu.memory_space<semaphore_mem>>
        %dma_start3A_101 = tpu.memref_slice %arg4[%add3A_69] : memref<323584xi32, #tpu.memory_space<hbm>> -> memref<128xi32, #tpu.memory_space<hbm>>
        %dma_start3A_102 = tpu.memref_slice %arg4[%add3A_69] : memref<323584xi32, #tpu.memory_space<hbm>> -> memref<128xi32, #tpu.memory_space<hbm>>
        tpu.enqueue_dma source(%dma_start3A_102 : memref<128xi32, #tpu.memory_space<hbm>>) target(%arg9 : memref<128xi32, #tpu.memory_space<vmem>>) target_semaphore(%run_scoped3A : memref<!tpu.dma_semaphore, #tpu.memory_space<semaphore_mem>>)
        %dma_wait3A_103 = tpu.memref_slice %arg4[%add3A_69] : memref<323584xi32, #tpu.memory_space<hbm>> -> memref<128xi32, #tpu.memory_space<hbm>>
        %dma_wait3A_104 = tpu.memref_slice %arg4[%add3A_69] : memref<323584xi32, #tpu.memory_space<hbm>> -> memref<128xi32, #tpu.memory_space<hbm>>
        tpu.wait_dma2 semaphore(%run_scoped3A : memref<!tpu.dma_semaphore, #tpu.memory_space<semaphore_mem>>) src(%dma_wait3A_104 : memref<128xi32, #tpu.memory_space<hbm>>) dst(%arg9 : memref<128xi32, #tpu.memory_space<vmem>>)
        tpu.yield
      }) : () -> ()
      %dma_start3A_73 = arith.constant 0 : i32
      %dma_start3A_74 = arith.constant 0 : i32
      %dma_start3A_75 = tpu.memref_slice %arg2[%dma_start3A_73, %dma_start3A_74] : memref<10000x128xf32, #tpu.memory_space<hbm>> -> memref<10000x128xf32, #tpu.memory_space<hbm>>
      tpu.enqueue_indirect_dma source(%dma_start3A_75 : memref<10000x128xf32, #tpu.memory_space<hbm>>) target(%arg11 : memref<128x128xf32, #tpu.memory_space<vmem>>) offsets(%arg7 : memref<128xi32, #tpu.memory_space<vmem>>) semaphore(%arg14 : memref<!tpu.dma_semaphore, #tpu.memory_space<semaphore_mem>>)
      %dma_wait3A_76 = arith.constant 0 : i32
      %dma_wait3A_77 = arith.constant 0 : i32
      %dma_wait3A_78 = tpu.memref_slice %arg2[%dma_wait3A_76, %dma_wait3A_77] : memref<10000x128xf32, #tpu.memory_space<hbm>> -> memref<10000x128xf32, #tpu.memory_space<hbm>>
      tpu.wait_indirect_dma semaphore(%arg14 : memref<!tpu.dma_semaphore, #tpu.memory_space<semaphore_mem>>) src(%dma_wait3A_78 : memref<10000x128xf32, #tpu.memory_space<hbm>>) dst(%arg11 : memref<128x128xf32, #tpu.memory_space<vmem>>)
      %dma_start3A_79 = arith.constant 0 : i32
      %dma_start3A_80 = arith.constant 0 : i32
      %dma_start3A_81 = tpu.memref_slice %arg13[%dma_start3A_79, %dma_start3A_80] : memref<10112x128xf32, #tpu.memory_space<vmem_shared>> -> memref<10112x128xf32, #tpu.memory_space<vmem_shared>>
      tpu.enqueue_indirect_dma source(%arg11 : memref<128x128xf32, #tpu.memory_space<vmem>>) target(%dma_start3A_81 : memref<10112x128xf32, #tpu.memory_space<vmem_shared>>) offsets(%arg9 : memref<128xi32, #tpu.memory_space<vmem>>) semaphore(%arg15 : memref<!tpu.dma_semaphore, #tpu.memory_space<semaphore_mem>>) {add = true}
      %add3A_82 = arith.constant 2 : i32
      %add3A_83 = arith.addi %add3A_62, %add3A_82 : i32
      %add3A_84 = arith.constant 1 : i32
      %add3A_85 = arith.addi %add3A_83, %add3A_84 : i32
      %mul3A_86 = arith.constant 128 : i32
      %mul3A_87 = arith.muli %add3A_85, %mul3A_86 : i32
      %add3A_88 = arith.addi %mul3A_12, %mul3A_87 : i32
      %dma_wait3A_89 = arith.constant 0 : i32
      %dma_wait3A_90 = arith.constant 0 : i32
      %dma_wait3A_91 = tpu.memref_slice %arg13[%dma_wait3A_89, %dma_wait3A_90] : memref<10112x128xf32, #tpu.memory_space<vmem_shared>> -> memref<10112x128xf32, #tpu.memory_space<vmem_shared>>
      tpu.wait_indirect_dma semaphore(%arg16 : memref<!tpu.dma_semaphore, #tpu.memory_space<semaphore_mem>>) src(%arg12 : memref<128x128xf32, #tpu.memory_space<vmem>>) dst(%dma_wait3A_91 : memref<10112x128xf32, #tpu.memory_space<vmem_shared>>)
      "tpu.region"() ({
        %run_scoped3A = tpu.sem_alloc : memref<!tpu.dma_semaphore, #tpu.memory_space<semaphore_mem>>
        %dma_start3A_101 = tpu.memref_slice %arg3[%add3A_88] : memref<323584xi32, #tpu.memory_space<hbm>> -> memref<128xi32, #tpu.memory_space<hbm>>
        %dma_start3A_102 = tpu.memref_slice %arg3[%add3A_88] : memref<323584xi32, #tpu.memory_space<hbm>> -> memref<128xi32, #tpu.memory_space<hbm>>
        tpu.enqueue_dma source(%dma_start3A_102 : memref<128xi32, #tpu.memory_space<hbm>>) target(%arg8 : memref<128xi32, #tpu.memory_space<vmem>>) target_semaphore(%run_scoped3A : memref<!tpu.dma_semaphore, #tpu.memory_space<semaphore_mem>>)
        %dma_wait3A_103 = tpu.memref_slice %arg3[%add3A_88] : memref<323584xi32, #tpu.memory_space<hbm>> -> memref<128xi32, #tpu.memory_space<hbm>>
        %dma_wait3A_104 = tpu.memref_slice %arg3[%add3A_88] : memref<323584xi32, #tpu.memory_space<hbm>> -> memref<128xi32, #tpu.memory_space<hbm>>
        tpu.wait_dma2 semaphore(%run_scoped3A : memref<!tpu.dma_semaphore, #tpu.memory_space<semaphore_mem>>) src(%dma_wait3A_104 : memref<128xi32, #tpu.memory_space<hbm>>) dst(%arg8 : memref<128xi32, #tpu.memory_space<vmem>>)
        tpu.yield
      }) : () -> ()
      "tpu.region"() ({
        %run_scoped3A = tpu.sem_alloc : memref<!tpu.dma_semaphore, #tpu.memory_space<semaphore_mem>>
        %dma_start3A_101 = tpu.memref_slice %arg4[%add3A_88] : memref<323584xi32, #tpu.memory_space<hbm>> -> memref<128xi32, #tpu.memory_space<hbm>>
        %dma_start3A_102 = tpu.memref_slice %arg4[%add3A_88] : memref<323584xi32, #tpu.memory_space<hbm>> -> memref<128xi32, #tpu.memory_space<hbm>>
        tpu.enqueue_dma source(%dma_start3A_102 : memref<128xi32, #tpu.memory_space<hbm>>) target(%arg10 : memref<128xi32, #tpu.memory_space<vmem>>) target_semaphore(%run_scoped3A : memref<!tpu.dma_semaphore, #tpu.memory_space<semaphore_mem>>)
        %dma_wait3A_103 = tpu.memref_slice %arg4[%add3A_88] : memref<323584xi32, #tpu.memory_space<hbm>> -> memref<128xi32, #tpu.memory_space<hbm>>
        %dma_wait3A_104 = tpu.memref_slice %arg4[%add3A_88] : memref<323584xi32, #tpu.memory_space<hbm>> -> memref<128xi32, #tpu.memory_space<hbm>>
        tpu.wait_dma2 semaphore(%run_scoped3A : memref<!tpu.dma_semaphore, #tpu.memory_space<semaphore_mem>>) src(%dma_wait3A_104 : memref<128xi32, #tpu.memory_space<hbm>>) dst(%arg10 : memref<128xi32, #tpu.memory_space<vmem>>)
        tpu.yield
      }) : () -> ()
      %dma_start3A_92 = arith.constant 0 : i32
      %dma_start3A_93 = arith.constant 0 : i32
      %dma_start3A_94 = tpu.memref_slice %arg2[%dma_start3A_92, %dma_start3A_93] : memref<10000x128xf32, #tpu.memory_space<hbm>> -> memref<10000x128xf32, #tpu.memory_space<hbm>>
      tpu.enqueue_indirect_dma source(%dma_start3A_94 : memref<10000x128xf32, #tpu.memory_space<hbm>>) target(%arg12 : memref<128x128xf32, #tpu.memory_space<vmem>>) offsets(%arg8 : memref<128xi32, #tpu.memory_space<vmem>>) semaphore(%arg14 : memref<!tpu.dma_semaphore, #tpu.memory_space<semaphore_mem>>)
      %dma_wait3A_95 = arith.constant 0 : i32
      %dma_wait3A_96 = arith.constant 0 : i32
      %dma_wait3A_97 = tpu.memref_slice %arg2[%dma_wait3A_95, %dma_wait3A_96] : memref<10000x128xf32, #tpu.memory_space<hbm>> -> memref<10000x128xf32, #tpu.memory_space<hbm>>
      tpu.wait_indirect_dma semaphore(%arg14 : memref<!tpu.dma_semaphore, #tpu.memory_space<semaphore_mem>>) src(%dma_wait3A_97 : memref<10000x128xf32, #tpu.memory_space<hbm>>) dst(%arg12 : memref<128x128xf32, #tpu.memory_space<vmem>>)
      %dma_start3A_98 = arith.constant 0 : i32
      %dma_start3A_99 = arith.constant 0 : i32
      %dma_start3A_100 = tpu.memref_slice %arg13[%dma_start3A_98, %dma_start3A_99] : memref<10112x128xf32, #tpu.memory_space<vmem_shared>> -> memref<10112x128xf32, #tpu.memory_space<vmem_shared>>
      tpu.enqueue_indirect_dma source(%arg12 : memref<128x128xf32, #tpu.memory_space<vmem>>) target(%dma_start3A_100 : memref<10112x128xf32, #tpu.memory_space<vmem_shared>>) offsets(%arg10 : memref<128xi32, #tpu.memory_space<vmem>>) semaphore(%arg16 : memref<!tpu.dma_semaphore, #tpu.memory_space<semaphore_mem>>) {add = true}
    }
    %while3A_50 = arith.constant 1 : i32
    scf.for %while3A_60 = %while3A_48 to %while3A_44 step %while3A_50  : i32 {
      %mul3A_61 = arith.muli %while3A_60, %while3A : i32
      %add3A_62 = arith.addi %while3A_41, %mul3A_61 : i32
      %add3A_63 = arith.constant 2 : i32
      %add3A_64 = arith.addi %add3A_62, %add3A_63 : i32
      %add3A_65 = arith.constant 0 : i32
      %add3A_66 = arith.addi %add3A_64, %add3A_65 : i32
      %mul3A_67 = arith.constant 128 : i32
      %mul3A_68 = arith.muli %add3A_66, %mul3A_67 : i32
      %add3A_69 = arith.addi %mul3A_12, %mul3A_68 : i32
      %dma_wait3A_70 = arith.constant 0 : i32
      %dma_wait3A_71 = arith.constant 0 : i32
      %dma_wait3A_72 = tpu.memref_slice %arg13[%dma_wait3A_70, %dma_wait3A_71] : memref<10112x128xf32, #tpu.memory_space<vmem_shared>> -> memref<10112x128xf32, #tpu.memory_space<vmem_shared>>
      tpu.wait_indirect_dma semaphore(%arg15 : memref<!tpu.dma_semaphore, #tpu.memory_space<semaphore_mem>>) src(%arg11 : memref<128x128xf32, #tpu.memory_space<vmem>>) dst(%dma_wait3A_72 : memref<10112x128xf32, #tpu.memory_space<vmem_shared>>)
      "tpu.region"() ({
        %run_scoped3A = tpu.sem_alloc : memref<!tpu.dma_semaphore, #tpu.memory_space<semaphore_mem>>
        %dma_start3A_101 = tpu.memref_slice %arg3[%add3A_69] : memref<323584xi32, #tpu.memory_space<hbm>> -> memref<128xi32, #tpu.memory_space<hbm>>
        %dma_start3A_102 = tpu.memref_slice %arg3[%add3A_69] : memref<323584xi32, #tpu.memory_space<hbm>> -> memref<128xi32, #tpu.memory_space<hbm>>
        tpu.enqueue_dma source(%dma_start3A_102 : memref<128xi32, #tpu.memory_space<hbm>>) target(%arg7 : memref<128xi32, #tpu.memory_space<vmem>>) target_semaphore(%run_scoped3A : memref<!tpu.dma_semaphore, #tpu.memory_space<semaphore_mem>>)
        %dma_wait3A_103 = tpu.memref_slice %arg3[%add3A_69] : memref<323584xi32, #tpu.memory_space<hbm>> -> memref<128xi32, #tpu.memory_space<hbm>>
        %dma_wait3A_104 = tpu.memref_slice %arg3[%add3A_69] : memref<323584xi32, #tpu.memory_space<hbm>> -> memref<128xi32, #tpu.memory_space<hbm>>
        tpu.wait_dma2 semaphore(%run_scoped3A : memref<!tpu.dma_semaphore, #tpu.memory_space<semaphore_mem>>) src(%dma_wait3A_104 : memref<128xi32, #tpu.memory_space<hbm>>) dst(%arg7 : memref<128xi32, #tpu.memory_space<vmem>>)
        tpu.yield
      }) : () -> ()
      "tpu.region"() ({
        %run_scoped3A = tpu.sem_alloc : memref<!tpu.dma_semaphore, #tpu.memory_space<semaphore_mem>>
        %dma_start3A_101 = tpu.memref_slice %arg4[%add3A_69] : memref<323584xi32, #tpu.memory_space<hbm>> -> memref<128xi32, #tpu.memory_space<hbm>>
        %dma_start3A_102 = tpu.memref_slice %arg4[%add3A_69] : memref<323584xi32, #tpu.memory_space<hbm>> -> memref<128xi32, #tpu.memory_space<hbm>>
        tpu.enqueue_dma source(%dma_start3A_102 : memref<128xi32, #tpu.memory_space<hbm>>) target(%arg9 : memref<128xi32, #tpu.memory_space<vmem>>) target_semaphore(%run_scoped3A : memref<!tpu.dma_semaphore, #tpu.memory_space<semaphore_mem>>)
        %dma_wait3A_103 = tpu.memref_slice %arg4[%add3A_69] : memref<323584xi32, #tpu.memory_space<hbm>> -> memref<128xi32, #tpu.memory_space<hbm>>
        %dma_wait3A_104 = tpu.memref_slice %arg4[%add3A_69] : memref<323584xi32, #tpu.memory_space<hbm>> -> memref<128xi32, #tpu.memory_space<hbm>>
        tpu.wait_dma2 semaphore(%run_scoped3A : memref<!tpu.dma_semaphore, #tpu.memory_space<semaphore_mem>>) src(%dma_wait3A_104 : memref<128xi32, #tpu.memory_space<hbm>>) dst(%arg9 : memref<128xi32, #tpu.memory_space<vmem>>)
        tpu.yield
      }) : () -> ()
      %dma_start3A_73 = arith.constant 0 : i32
      %dma_start3A_74 = arith.constant 0 : i32
      %dma_start3A_75 = tpu.memref_slice %arg2[%dma_start3A_73, %dma_start3A_74] : memref<10000x128xf32, #tpu.memory_space<hbm>> -> memref<10000x128xf32, #tpu.memory_space<hbm>>
      tpu.enqueue_indirect_dma source(%dma_start3A_75 : memref<10000x128xf32, #tpu.memory_space<hbm>>) target(%arg11 : memref<128x128xf32, #tpu.memory_space<vmem>>) offsets(%arg7 : memref<128xi32, #tpu.memory_space<vmem>>) semaphore(%arg14 : memref<!tpu.dma_semaphore, #tpu.memory_space<semaphore_mem>>)
      %dma_wait3A_76 = arith.constant 0 : i32
      %dma_wait3A_77 = arith.constant 0 : i32
      %dma_wait3A_78 = tpu.memref_slice %arg2[%dma_wait3A_76, %dma_wait3A_77] : memref<10000x128xf32, #tpu.memory_space<hbm>> -> memref<10000x128xf32, #tpu.memory_space<hbm>>
      tpu.wait_indirect_dma semaphore(%arg14 : memref<!tpu.dma_semaphore, #tpu.memory_space<semaphore_mem>>) src(%dma_wait3A_78 : memref<10000x128xf32, #tpu.memory_space<hbm>>) dst(%arg11 : memref<128x128xf32, #tpu.memory_space<vmem>>)
      %dma_start3A_79 = arith.constant 0 : i32
      %dma_start3A_80 = arith.constant 0 : i32
      %dma_start3A_81 = tpu.memref_slice %arg13[%dma_start3A_79, %dma_start3A_80] : memref<10112x128xf32, #tpu.memory_space<vmem_shared>> -> memref<10112x128xf32, #tpu.memory_space<vmem_shared>>
      tpu.enqueue_indirect_dma source(%arg11 : memref<128x128xf32, #tpu.memory_space<vmem>>) target(%dma_start3A_81 : memref<10112x128xf32, #tpu.memory_space<vmem_shared>>) offsets(%arg9 : memref<128xi32, #tpu.memory_space<vmem>>) semaphore(%arg15 : memref<!tpu.dma_semaphore, #tpu.memory_space<semaphore_mem>>) {add = true}
      %add3A_82 = arith.constant 2 : i32
      %add3A_83 = arith.addi %add3A_62, %add3A_82 : i32
      %add3A_84 = arith.constant 1 : i32
      %add3A_85 = arith.addi %add3A_83, %add3A_84 : i32
      %mul3A_86 = arith.constant 128 : i32
      %mul3A_87 = arith.muli %add3A_85, %mul3A_86 : i32
      %add3A_88 = arith.addi %mul3A_12, %mul3A_87 : i32
      %dma_wait3A_89 = arith.constant 0 : i32
      %dma_wait3A_90 = arith.constant 0 : i32
      %dma_wait3A_91 = tpu.memref_slice %arg13[%dma_wait3A_89, %dma_wait3A_90] : memref<10112x128xf32, #tpu.memory_space<vmem_shared>> -> memref<10112x128xf32, #tpu.memory_space<vmem_shared>>
      tpu.wait_indirect_dma semaphore(%arg16 : memref<!tpu.dma_semaphore, #tpu.memory_space<semaphore_mem>>) src(%arg12 : memref<128x128xf32, #tpu.memory_space<vmem>>) dst(%dma_wait3A_91 : memref<10112x128xf32, #tpu.memory_space<vmem_shared>>)
      "tpu.region"() ({
        %run_scoped3A = tpu.sem_alloc : memref<!tpu.dma_semaphore, #tpu.memory_space<semaphore_mem>>
        %dma_start3A_101 = tpu.memref_slice %arg3[%add3A_88] : memref<323584xi32, #tpu.memory_space<hbm>> -> memref<128xi32, #tpu.memory_space<hbm>>
        %dma_start3A_102 = tpu.memref_slice %arg3[%add3A_88] : memref<323584xi32, #tpu.memory_space<hbm>> -> memref<128xi32, #tpu.memory_space<hbm>>
        tpu.enqueue_dma source(%dma_start3A_102 : memref<128xi32, #tpu.memory_space<hbm>>) target(%arg8 : memref<128xi32, #tpu.memory_space<vmem>>) target_semaphore(%run_scoped3A : memref<!tpu.dma_semaphore, #tpu.memory_space<semaphore_mem>>)
        %dma_wait3A_103 = tpu.memref_slice %arg3[%add3A_88] : memref<323584xi32, #tpu.memory_space<hbm>> -> memref<128xi32, #tpu.memory_space<hbm>>
        %dma_wait3A_104 = tpu.memref_slice %arg3[%add3A_88] : memref<323584xi32, #tpu.memory_space<hbm>> -> memref<128xi32, #tpu.memory_space<hbm>>
        tpu.wait_dma2 semaphore(%run_scoped3A : memref<!tpu.dma_semaphore, #tpu.memory_space<semaphore_mem>>) src(%dma_wait3A_104 : memref<128xi32, #tpu.memory_space<hbm>>) dst(%arg8 : memref<128xi32, #tpu.memory_space<vmem>>)
        tpu.yield
      }) : () -> ()
      "tpu.region"() ({
        %run_scoped3A = tpu.sem_alloc : memref<!tpu.dma_semaphore, #tpu.memory_space<semaphore_mem>>
        %dma_start3A_101 = tpu.memref_slice %arg4[%add3A_88] : memref<323584xi32, #tpu.memory_space<hbm>> -> memref<128xi32, #tpu.memory_space<hbm>>
        %dma_start3A_102 = tpu.memref_slice %arg4[%add3A_88] : memref<323584xi32, #tpu.memory_space<hbm>> -> memref<128xi32, #tpu.memory_space<hbm>>
        tpu.enqueue_dma source(%dma_start3A_102 : memref<128xi32, #tpu.memory_space<hbm>>) target(%arg10 : memref<128xi32, #tpu.memory_space<vmem>>) target_semaphore(%run_scoped3A : memref<!tpu.dma_semaphore, #tpu.memory_space<semaphore_mem>>)
        %dma_wait3A_103 = tpu.memref_slice %arg4[%add3A_88] : memref<323584xi32, #tpu.memory_space<hbm>> -> memref<128xi32, #tpu.memory_space<hbm>>
        %dma_wait3A_104 = tpu.memref_slice %arg4[%add3A_88] : memref<323584xi32, #tpu.memory_space<hbm>> -> memref<128xi32, #tpu.memory_space<hbm>>
        tpu.wait_dma2 semaphore(%run_scoped3A : memref<!tpu.dma_semaphore, #tpu.memory_space<semaphore_mem>>) src(%dma_wait3A_104 : memref<128xi32, #tpu.memory_space<hbm>>) dst(%arg10 : memref<128xi32, #tpu.memory_space<vmem>>)
        tpu.yield
      }) : () -> ()
      %dma_start3A_92 = arith.constant 0 : i32
      %dma_start3A_93 = arith.constant 0 : i32
      %dma_start3A_94 = tpu.memref_slice %arg2[%dma_start3A_92, %dma_start3A_93] : memref<10000x128xf32, #tpu.memory_space<hbm>> -> memref<10000x128xf32, #tpu.memory_space<hbm>>
      tpu.enqueue_indirect_dma source(%dma_start3A_94 : memref<10000x128xf32, #tpu.memory_space<hbm>>) target(%arg12 : memref<128x128xf32, #tpu.memory_space<vmem>>) offsets(%arg8 : memref<128xi32, #tpu.memory_space<vmem>>) semaphore(%arg14 : memref<!tpu.dma_semaphore, #tpu.memory_space<semaphore_mem>>)
      %dma_wait3A_95 = arith.constant 0 : i32
      %dma_wait3A_96 = arith.constant 0 : i32
      %dma_wait3A_97 = tpu.memref_slice %arg2[%dma_wait3A_95, %dma_wait3A_96] : memref<10000x128xf32, #tpu.memory_space<hbm>> -> memref<10000x128xf32, #tpu.memory_space<hbm>>
      tpu.wait_indirect_dma semaphore(%arg14 : memref<!tpu.dma_semaphore, #tpu.memory_space<semaphore_mem>>) src(%dma_wait3A_97 : memref<10000x128xf32, #tpu.memory_space<hbm>>) dst(%arg12 : memref<128x128xf32, #tpu.memory_space<vmem>>)
      %dma_start3A_98 = arith.constant 0 : i32
      %dma_start3A_99 = arith.constant 0 : i32
      %dma_start3A_100 = tpu.memref_slice %arg13[%dma_start3A_98, %dma_start3A_99] : memref<10112x128xf32, #tpu.memory_space<vmem_shared>> -> memref<10112x128xf32, #tpu.memory_space<vmem_shared>>
      tpu.enqueue_indirect_dma source(%arg12 : memref<128x128xf32, #tpu.memory_space<vmem>>) target(%dma_start3A_100 : memref<10112x128xf32, #tpu.memory_space<vmem_shared>>) offsets(%arg10 : memref<128xi32, #tpu.memory_space<vmem>>) semaphore(%arg16 : memref<!tpu.dma_semaphore, #tpu.memory_space<semaphore_mem>>) {add = true}
    }
    %dma_wait3A_51 = arith.constant 0 : i32
    %dma_wait3A_52 = arith.constant 0 : i32
    %dma_wait3A_53 = tpu.memref_slice %arg13[%dma_wait3A_51, %dma_wait3A_52] : memref<10112x128xf32, #tpu.memory_space<vmem_shared>> -> memref<10112x128xf32, #tpu.memory_space<vmem_shared>>
    tpu.wait_indirect_dma semaphore(%arg15 : memref<!tpu.dma_semaphore, #tpu.memory_space<semaphore_mem>>) src(%arg11 : memref<128x128xf32, #tpu.memory_space<vmem>>) dst(%dma_wait3A_53 : memref<10112x128xf32, #tpu.memory_space<vmem_shared>>)
    %dma_wait3A_54 = arith.constant 0 : i32
    %dma_wait3A_55 = arith.constant 0 : i32
    %dma_wait3A_56 = tpu.memref_slice %arg13[%dma_wait3A_54, %dma_wait3A_55] : memref<10112x128xf32, #tpu.memory_space<vmem_shared>> -> memref<10112x128xf32, #tpu.memory_space<vmem_shared>>
    tpu.wait_indirect_dma semaphore(%arg16 : memref<!tpu.dma_semaphore, #tpu.memory_space<semaphore_mem>>) src(%arg12 : memref<128x128xf32, #tpu.memory_space<vmem>>) dst(%dma_wait3A_56 : memref<10112x128xf32, #tpu.memory_space<vmem_shared>>)
    %barrier3A_57 = arith.constant 0 : index
    tpu.barrier barrier_id(%barrier3A_57)
    %mul3A_58 = arith.constant 632 : i32
    %mul3A_59 = arith.muli %arg1, %mul3A_58 : i32
    "tpu.region"() ({
      %run_scoped3A = tpu.sem_alloc : memref<!tpu.dma_semaphore, #tpu.memory_space<semaphore_mem>>
      %dma_start3A_60 = arith.constant 0 : i32
      %dma_start3A_61 = tpu.memref_slice %arg6[%arg0, %mul3A_59, %dma_start3A_60] : memref<2x10112x128xf32, #tpu.memory_space<hbm>> -> memref<1x632x128xf32, #tpu.memory_space<hbm>>
      %dma_start3A_62 = tpu.memref_squeeze %dma_start3A_61 : memref<1x632x128xf32, #tpu.memory_space<hbm>> -> memref<632x128xf32, #tpu.memory_space<hbm>>
      %dma_start3A_63 = arith.constant 0 : i32
      %dma_start3A_64 = tpu.memref_slice %arg13[%mul3A_59, %dma_start3A_63] : memref<10112x128xf32, #tpu.memory_space<vmem_shared>> -> memref<632x128xf32, #tpu.memory_space<vmem_shared>>
      tpu.enqueue_dma source(%dma_start3A_64 : memref<632x128xf32, #tpu.memory_space<vmem_shared>>) target(%dma_start3A_62 : memref<632x128xf32, #tpu.memory_space<hbm>>) target_semaphore(%run_scoped3A : memref<!tpu.dma_semaphore, #tpu.memory_space<semaphore_mem>>)
      %dma_wait3A_65 = arith.constant 0 : i32
      %dma_wait3A_66 = tpu.memref_slice %arg6[%arg0, %mul3A_59, %dma_wait3A_65] : memref<2x10112x128xf32, #tpu.memory_space<hbm>> -> memref<1x632x128xf32, #tpu.memory_space<hbm>>
      %dma_wait3A_67 = tpu.memref_squeeze %dma_wait3A_66 : memref<1x632x128xf32, #tpu.memory_space<hbm>> -> memref<632x128xf32, #tpu.memory_space<hbm>>
      %dma_wait3A_68 = arith.constant 0 : i32
      %dma_wait3A_69 = tpu.memref_slice %arg13[%mul3A_59, %dma_wait3A_68] : memref<10112x128xf32, #tpu.memory_space<vmem_shared>> -> memref<632x128xf32, #tpu.memory_space<vmem_shared>>
      tpu.wait_dma2 semaphore(%run_scoped3A : memref<!tpu.dma_semaphore, #tpu.memory_space<semaphore_mem>>) src(%dma_wait3A_69 : memref<632x128xf32, #tpu.memory_space<vmem_shared>>) dst(%dma_wait3A_67 : memref<632x128xf32, #tpu.memory_space<hbm>>)
      tpu.yield
    }) : () -> ()
    return
  }
}

#map = affine_map<(d0, d1) -> (0)>
#map1 = affine_map<(d0, d1) -> (0, 0)>
#map2 = affine_map<(d0, d1) -> (0, 0, 0)>
module attributes {stable_mosaic.version = 14 : i64} {
  func.func @_cnt_body(%arg0: i32, %arg1: i32, %arg2: memref<323584xi32, #tpu.memory_space<hbm>>, %arg3: memref<632x128xf32, #tpu.memory_space<hbm>>, %arg4: memref<128x128xf32, #tpu.memory_space<hbm>>, %arg5: memref<2x10112x128xf32, #tpu.memory_space<hbm>>, %arg6: memref<128xi32, #tpu.memory_space<vmem>>, %arg7: memref<128x128xf32, #tpu.memory_space<vmem>>, %arg8: memref<10112x128xf32, #tpu.memory_space<vmem_shared>>) attributes {dimension_semantics = [#tpu.dimension_semantics<core_parallel>, #tpu.dimension_semantics<subcore_parallel>], iteration_bounds = array<i64: 2, 16>, scalar_prefetch = 0 : i64, scratch_operands = 3 : i64, tpu.core_type = #tpu.core_type<sc_vector_subcore>, window_params = [{transform_indices = #map}, {transform_indices = #map1}, {transform_indices = #map1}, {transform_indices = #map2}]} {
    %mul3A = arith.constant 16 : i32
    %mul3A_0 = arith.muli %arg0, %mul3A : i32
    %add3A = arith.addi %mul3A_0, %arg1 : i32
    %mul3A_1 = arith.constant 632 : i32
    %mul3A_2 = arith.muli %arg1, %mul3A_1 : i32
    "tpu.region"() ({
      %run_scoped3A = tpu.sem_alloc : memref<!tpu.dma_semaphore, #tpu.memory_space<semaphore_mem>>
      %dma_start3A = arith.constant 0 : i32
      %dma_start3A_14 = tpu.memref_slice %arg8[%mul3A_2, %dma_start3A] : memref<10112x128xf32, #tpu.memory_space<vmem_shared>> -> memref<632x128xf32, #tpu.memory_space<vmem_shared>>
      tpu.enqueue_dma source(%arg3 : memref<632x128xf32, #tpu.memory_space<hbm>>) target(%dma_start3A_14 : memref<632x128xf32, #tpu.memory_space<vmem_shared>>) target_semaphore(%run_scoped3A : memref<!tpu.dma_semaphore, #tpu.memory_space<semaphore_mem>>)
      %dma_wait3A = arith.constant 0 : i32
      %dma_wait3A_15 = tpu.memref_slice %arg8[%mul3A_2, %dma_wait3A] : memref<10112x128xf32, #tpu.memory_space<vmem_shared>> -> memref<632x128xf32, #tpu.memory_space<vmem_shared>>
      tpu.wait_dma2 semaphore(%run_scoped3A : memref<!tpu.dma_semaphore, #tpu.memory_space<semaphore_mem>>) src(%arg3 : memref<632x128xf32, #tpu.memory_space<hbm>>) dst(%dma_wait3A_15 : memref<632x128xf32, #tpu.memory_space<vmem_shared>>)
      tpu.yield
    }) : () -> ()
    "tpu.region"() ({
      %run_scoped3A = tpu.sem_alloc : memref<!tpu.dma_semaphore, #tpu.memory_space<semaphore_mem>>
      tpu.enqueue_dma source(%arg4 : memref<128x128xf32, #tpu.memory_space<hbm>>) target(%arg7 : memref<128x128xf32, #tpu.memory_space<vmem>>) target_semaphore(%run_scoped3A : memref<!tpu.dma_semaphore, #tpu.memory_space<semaphore_mem>>)
      tpu.wait_dma2 semaphore(%run_scoped3A : memref<!tpu.dma_semaphore, #tpu.memory_space<semaphore_mem>>) src(%arg4 : memref<128x128xf32, #tpu.memory_space<hbm>>) dst(%arg7 : memref<128x128xf32, #tpu.memory_space<vmem>>)
      tpu.yield
    }) : () -> ()
    %barrier3A = arith.constant 0 : index
    tpu.barrier barrier_id(%barrier3A)
    %mul3A_3 = arith.constant 79 : i32
    %mul3A_4 = arith.muli %add3A, %mul3A_3 : i32
    %mul3A_5 = arith.constant 128 : i32
    %mul3A_6 = arith.muli %mul3A_4, %mul3A_5 : i32
    %scan3A = arith.constant 0 : i32
    %scan3A_7 = arith.constant 79 : i32
    %scan3A_8 = arith.addi %scan3A, %scan3A_7 : i32
    %scan3A_9 = arith.constant 1 : i32
    scf.for %scan3A_14 = %scan3A to %scan3A_8 step %scan3A_9  : i32 {
      %mul3A_15 = arith.constant 1 : i32
      %mul3A_16 = arith.muli %scan3A_14, %mul3A_15 : i32
      %add3A_17 = arith.constant 0 : i32
      %add3A_18 = arith.addi %add3A_17, %mul3A_16 : i32
      %mul3A_19 = arith.constant 128 : i32
      %mul3A_20 = arith.muli %add3A_18, %mul3A_19 : i32
      %add3A_21 = arith.addi %mul3A_6, %mul3A_20 : i32
      "tpu.region"() ({
        %run_scoped3A = tpu.sem_alloc : memref<!tpu.dma_semaphore, #tpu.memory_space<semaphore_mem>>
        %dma_start3A = tpu.memref_slice %arg2[%add3A_21] : memref<323584xi32, #tpu.memory_space<hbm>> -> memref<128xi32, #tpu.memory_space<hbm>>
        %dma_start3A_22 = tpu.memref_slice %arg2[%add3A_21] : memref<323584xi32, #tpu.memory_space<hbm>> -> memref<128xi32, #tpu.memory_space<hbm>>
        tpu.enqueue_dma source(%dma_start3A_22 : memref<128xi32, #tpu.memory_space<hbm>>) target(%arg6 : memref<128xi32, #tpu.memory_space<vmem>>) target_semaphore(%run_scoped3A : memref<!tpu.dma_semaphore, #tpu.memory_space<semaphore_mem>>)
        %dma_wait3A = tpu.memref_slice %arg2[%add3A_21] : memref<323584xi32, #tpu.memory_space<hbm>> -> memref<128xi32, #tpu.memory_space<hbm>>
        %dma_wait3A_23 = tpu.memref_slice %arg2[%add3A_21] : memref<323584xi32, #tpu.memory_space<hbm>> -> memref<128xi32, #tpu.memory_space<hbm>>
        tpu.wait_dma2 semaphore(%run_scoped3A : memref<!tpu.dma_semaphore, #tpu.memory_space<semaphore_mem>>) src(%dma_wait3A_23 : memref<128xi32, #tpu.memory_space<hbm>>) dst(%arg6 : memref<128xi32, #tpu.memory_space<vmem>>)
        tpu.yield
      }) : () -> ()
      "tpu.region"() ({
        %run_scoped3A = tpu.sem_alloc : memref<!tpu.dma_semaphore, #tpu.memory_space<semaphore_mem>>
        %dma_start3A = arith.constant 0 : i32
        %dma_start3A_22 = arith.constant 0 : i32
        %dma_start3A_23 = tpu.memref_slice %arg8[%dma_start3A, %dma_start3A_22] : memref<10112x128xf32, #tpu.memory_space<vmem_shared>> -> memref<10112x128xf32, #tpu.memory_space<vmem_shared>>
        tpu.enqueue_indirect_dma source(%arg7 : memref<128x128xf32, #tpu.memory_space<vmem>>) target(%dma_start3A_23 : memref<10112x128xf32, #tpu.memory_space<vmem_shared>>) offsets(%arg6 : memref<128xi32, #tpu.memory_space<vmem>>) semaphore(%run_scoped3A : memref<!tpu.dma_semaphore, #tpu.memory_space<semaphore_mem>>) {add = true}
        %dma_wait3A = arith.constant 0 : i32
        %dma_wait3A_24 = arith.constant 0 : i32
        %dma_wait3A_25 = tpu.memref_slice %arg8[%dma_wait3A, %dma_wait3A_24] : memref<10112x128xf32, #tpu.memory_space<vmem_shared>> -> memref<10112x128xf32, #tpu.memory_space<vmem_shared>>
        tpu.wait_indirect_dma semaphore(%run_scoped3A : memref<!tpu.dma_semaphore, #tpu.memory_space<semaphore_mem>>) src(%arg7 : memref<128x128xf32, #tpu.memory_space<vmem>>) dst(%dma_wait3A_25 : memref<10112x128xf32, #tpu.memory_space<vmem_shared>>)
        tpu.yield
      }) : () -> ()
    }
    %scan3A_10 = arith.constant 79 : i32
    %barrier3A_11 = arith.constant 0 : index
    tpu.barrier barrier_id(%barrier3A_11)
    %mul3A_12 = arith.constant 632 : i32
    %mul3A_13 = arith.muli %arg1, %mul3A_12 : i32
    "tpu.region"() ({
      %run_scoped3A = tpu.sem_alloc : memref<!tpu.dma_semaphore, #tpu.memory_space<semaphore_mem>>
      %dma_start3A = arith.constant 0 : i32
      %dma_start3A_14 = tpu.memref_slice %arg5[%arg0, %mul3A_13, %dma_start3A] : memref<2x10112x128xf32, #tpu.memory_space<hbm>> -> memref<1x632x128xf32, #tpu.memory_space<hbm>>
      %dma_start3A_15 = tpu.memref_squeeze %dma_start3A_14 : memref<1x632x128xf32, #tpu.memory_space<hbm>> -> memref<632x128xf32, #tpu.memory_space<hbm>>
      %dma_start3A_16 = arith.constant 0 : i32
      %dma_start3A_17 = tpu.memref_slice %arg8[%mul3A_13, %dma_start3A_16] : memref<10112x128xf32, #tpu.memory_space<vmem_shared>> -> memref<632x128xf32, #tpu.memory_space<vmem_shared>>
      tpu.enqueue_dma source(%dma_start3A_17 : memref<632x128xf32, #tpu.memory_space<vmem_shared>>) target(%dma_start3A_15 : memref<632x128xf32, #tpu.memory_space<hbm>>) target_semaphore(%run_scoped3A : memref<!tpu.dma_semaphore, #tpu.memory_space<semaphore_mem>>)
      %dma_wait3A = arith.constant 0 : i32
      %dma_wait3A_18 = tpu.memref_slice %arg5[%arg0, %mul3A_13, %dma_wait3A] : memref<2x10112x128xf32, #tpu.memory_space<hbm>> -> memref<1x632x128xf32, #tpu.memory_space<hbm>>
      %dma_wait3A_19 = tpu.memref_squeeze %dma_wait3A_18 : memref<1x632x128xf32, #tpu.memory_space<hbm>> -> memref<632x128xf32, #tpu.memory_space<hbm>>
      %dma_wait3A_20 = arith.constant 0 : i32
      %dma_wait3A_21 = tpu.memref_slice %arg8[%mul3A_13, %dma_wait3A_20] : memref<10112x128xf32, #tpu.memory_space<vmem_shared>> -> memref<632x128xf32, #tpu.memory_space<vmem_shared>>
      tpu.wait_dma2 semaphore(%run_scoped3A : memref<!tpu.dma_semaphore, #tpu.memory_space<semaphore_mem>>) src(%dma_wait3A_21 : memref<632x128xf32, #tpu.memory_space<vmem_shared>>) dst(%dma_wait3A_19 : memref<632x128xf32, #tpu.memory_space<hbm>>)
      tpu.yield
    }) : () -> ()
    return
  }
}

module attributes {stable_mosaic.version = 14 : i64} {
  func.func @_dense_body(%arg0: i32, %arg1: memref<1000x128xf32, #tpu.memory_space<vmem>>, %arg2: memref<1000x128xf32, #tpu.memory_space<vmem>>, %arg3: memref<1000x1xf32, #tpu.memory_space<vmem>>, %arg4: memref<1000x1xf32, #tpu.memory_space<vmem>>, %arg5: memref<1000x128xf32, #tpu.memory_space<vmem>>, %arg6: memref<128x128xf32, #tpu.memory_space<vmem>>, %arg7: memref<128x128xf32, #tpu.memory_space<vmem>>, %arg8: memref<1x128xf32, #tpu.memory_space<vmem>>, %arg9: memref<1000x128xf32, #tpu.memory_space<vmem>>) attributes {dimension_semantics = [#tpu.dimension_semantics<arbitrary>], iteration_bounds = array<i64: 10>, scalar_prefetch = 0 : i64, scratch_operands = 0 : i64, tpu.core_type = #tpu.core_type<tc>, window_params = [{transform_indices = @transform_0, window_bounds = array<i64: 1000, 128>}, {transform_indices = @transform_1, window_bounds = array<i64: 1000, 128>}, {transform_indices = @transform_2, window_bounds = array<i64: 1000, 1>}, {transform_indices = @transform_3, window_bounds = array<i64: 1000, 1>}, {transform_indices = @transform_4, window_bounds = array<i64: 1000, 128>}, {pipeline_mode = #tpu.pipeline_mode<synchronous>, transform_indices = @transform_5, window_bounds = array<i64: 128, 128>}, {pipeline_mode = #tpu.pipeline_mode<synchronous>, transform_indices = @transform_6, window_bounds = array<i64: 128, 128>}, {pipeline_mode = #tpu.pipeline_mode<synchronous>, transform_indices = @transform_7, window_bounds = array<i64: 1, 128>}, {transform_indices = @transform_8, window_bounds = array<i64: 1000, 128>}]} {
    %get3A = arith.constant 0 : index
    %get3A_0 = arith.constant 0 : index
    %get3A_1 = vector.load %arg3[%get3A, %get3A_0] : memref<1000x1xf32, #tpu.memory_space<vmem>>, vector<1000x1xf32>
    %get3A_2 = arith.constant 0 : index
    %get3A_3 = arith.constant 0 : index
    %get3A_4 = vector.load %arg4[%get3A_2, %get3A_3] : memref<1000x1xf32, #tpu.memory_space<vmem>>, vector<1000x1xf32>
    %add3A = arith.addf %get3A_1, %get3A_4 : vector<1000x1xf32>
    %jit3A = arith.constant 1.000000e+00 : f32
    %max3A = vector.broadcast %jit3A : f32 to vector<1000x1xf32>
    %max3A_5 = arith.maximumf %max3A, %add3A : vector<1000x1xf32>
    %get3A_6 = arith.constant 0 : index
    %get3A_7 = arith.constant 0 : index
    %get3A_8 = vector.load %arg1[%get3A_6, %get3A_7] : memref<1000x128xf32, #tpu.memory_space<vmem>>, vector<1000x128xf32>
    %get3A_9 = arith.constant 0 : index
    %get3A_10 = arith.constant 0 : index
    %get3A_11 = vector.load %arg2[%get3A_9, %get3A_10] : memref<1000x128xf32, #tpu.memory_space<vmem>>, vector<1000x128xf32>
    %add3A_12 = arith.addf %get3A_8, %get3A_11 : vector<1000x128xf32>
    %div3A = vector.broadcast %max3A_5 : vector<1000x1xf32> to vector<1000x128xf32>
    %div3A_13 = arith.divf %add3A_12, %div3A : vector<1000x128xf32>
    %get3A_14 = arith.constant 0 : index
    %get3A_15 = arith.constant 0 : index
    %get3A_16 = vector.load %arg6[%get3A_14, %get3A_15] : memref<128x128xf32, #tpu.memory_space<vmem>>, vector<128x128xf32>
    %dot_general3A = arith.constant dense<0.000000e+00> : vector<1000x128xf32>
    %dot_general3A_17 = tpu.matmul %div3A_13, %get3A_16, %dot_general3A {dimension_numbers = #tpu.dot_dimension_numbers<[1], [0], [0], [1], [0, 0, 1, 1], [], []>, transpose_lhs_hint = false} : vector<1000x128xf32>, vector<128x128xf32>, vector<1000x128xf32> -> vector<1000x128xf32>
    %get3A_18 = arith.constant 0 : index
    %get3A_19 = arith.constant 0 : index
    %get3A_20 = vector.load %arg5[%get3A_18, %get3A_19] : memref<1000x128xf32, #tpu.memory_space<vmem>>, vector<1000x128xf32>
    %get3A_21 = arith.constant 0 : index
    %get3A_22 = arith.constant 0 : index
    %get3A_23 = vector.load %arg7[%get3A_21, %get3A_22] : memref<128x128xf32, #tpu.memory_space<vmem>>, vector<128x128xf32>
    %dot_general3A_24 = arith.constant dense<0.000000e+00> : vector<1000x128xf32>
    %dot_general3A_25 = tpu.matmul %get3A_20, %get3A_23, %dot_general3A_24 {dimension_numbers = #tpu.dot_dimension_numbers<[1], [0], [0], [1], [0, 0, 1, 1], [], []>, transpose_lhs_hint = false} : vector<1000x128xf32>, vector<128x128xf32>, vector<1000x128xf32> -> vector<1000x128xf32>
    %add3A_26 = arith.addf %dot_general3A_17, %dot_general3A_25 : vector<1000x128xf32>
    %get3A_27 = arith.constant 0 : index
    %get3A_28 = arith.constant 0 : index
    %get3A_29 = vector.load %arg8[%get3A_27, %get3A_28] : memref<1x128xf32, #tpu.memory_space<vmem>>, vector<1x128xf32>
    %add3A_30 = vector.broadcast %get3A_29 : vector<1x128xf32> to vector<1000x128xf32>
    %add3A_31 = arith.addf %add3A_26, %add3A_30 : vector<1000x128xf32>
    %max3A_32 = arith.constant 0.000000e+00 : f32
    %max3A_33 = vector.broadcast %max3A_32 : f32 to vector<1000x128xf32>
    %max3A_34 = arith.maximumf %add3A_31, %max3A_33 : vector<1000x128xf32>
    %swap3A = arith.constant 0 : index
    %swap3A_35 = arith.constant 0 : index
    %swap3A_36 = vector.load %arg9[%swap3A, %swap3A_35] : memref<1000x128xf32, #tpu.memory_space<vmem>>, vector<1000x128xf32>
    tpu.vector_store %arg9[%swap3A, %swap3A_35], %max3A_34 {strides = array<i32>} : memref<1000x128xf32, #tpu.memory_space<vmem>>, vector<1000x128xf32>,
    return
  }
  func.func @transform_0(%arg0: i32) -> (i32, i32) {
    %c0_i32 = arith.constant 0 : i32
    %c0_i32_0 = arith.constant 0 : i32
    return %arg0, %c0_i32 : i32, i32
  }
  func.func @transform_1(%arg0: i32) -> (i32, i32) {
    %c0_i32 = arith.constant 0 : i32
    %c0_i32_0 = arith.constant 0 : i32
    return %arg0, %c0_i32 : i32, i32
  }
  func.func @transform_2(%arg0: i32) -> (i32, i32) {
    %c0_i32 = arith.constant 0 : i32
    %c0_i32_0 = arith.constant 0 : i32
    return %arg0, %c0_i32 : i32, i32
  }
  func.func @transform_3(%arg0: i32) -> (i32, i32) {
    %c0_i32 = arith.constant 0 : i32
    %c0_i32_0 = arith.constant 0 : i32
    return %arg0, %c0_i32 : i32, i32
  }
  func.func @transform_4(%arg0: i32) -> (i32, i32) {
    %c0_i32 = arith.constant 0 : i32
    %c0_i32_0 = arith.constant 0 : i32
    return %arg0, %c0_i32 : i32, i32
  }
  func.func @transform_5(%arg0: i32) -> (i32, i32) {
    %c0_i32 = arith.constant 0 : i32
    %c0_i32_0 = arith.constant 0 : i32
    %c0_i32_1 = arith.constant 0 : i32
    return %c0_i32, %c0_i32_0 : i32, i32
  }
  func.func @transform_6(%arg0: i32) -> (i32, i32) {
    %c0_i32 = arith.constant 0 : i32
    %c0_i32_0 = arith.constant 0 : i32
    %c0_i32_1 = arith.constant 0 : i32
    return %c0_i32, %c0_i32_0 : i32, i32
  }
  func.func @transform_7(%arg0: i32) -> (i32, i32) {
    %c0_i32 = arith.constant 0 : i32
    %c0_i32_0 = arith.constant 0 : i32
    %c0_i32_1 = arith.constant 0 : i32
    return %c0_i32, %c0_i32_0 : i32, i32
  }
  func.func @transform_8(%arg0: i32) -> (i32, i32) {
    %c0_i32 = arith.constant 0 : i32
    %c0_i32_0 = arith.constant 0 : i32
    return %arg0, %c0_i32 : i32, i32
  }
}

module attributes {stable_mosaic.version = 14 : i64} {
  func.func @_dense_body(%arg0: i32, %arg1: memref<1000x128xf32, #tpu.memory_space<vmem>>, %arg2: memref<1000x128xf32, #tpu.memory_space<vmem>>, %arg3: memref<1000x1xf32, #tpu.memory_space<vmem>>, %arg4: memref<1000x1xf32, #tpu.memory_space<vmem>>, %arg5: memref<1000x128xf32, #tpu.memory_space<vmem>>, %arg6: memref<128x128xf32, #tpu.memory_space<vmem>>, %arg7: memref<128x128xf32, #tpu.memory_space<vmem>>, %arg8: memref<1x128xf32, #tpu.memory_space<vmem>>, %arg9: memref<1000x128xf32, #tpu.memory_space<vmem>>) attributes {dimension_semantics = [#tpu.dimension_semantics<arbitrary>], iteration_bounds = array<i64: 10>, scalar_prefetch = 0 : i64, scratch_operands = 0 : i64, tpu.core_type = #tpu.core_type<tc>, window_params = [{transform_indices = @transform_0, window_bounds = array<i64: 1000, 128>}, {transform_indices = @transform_1, window_bounds = array<i64: 1000, 128>}, {transform_indices = @transform_2, window_bounds = array<i64: 1000, 1>}, {transform_indices = @transform_3, window_bounds = array<i64: 1000, 1>}, {transform_indices = @transform_4, window_bounds = array<i64: 1000, 128>}, {pipeline_mode = #tpu.pipeline_mode<synchronous>, transform_indices = @transform_5, window_bounds = array<i64: 128, 128>}, {pipeline_mode = #tpu.pipeline_mode<synchronous>, transform_indices = @transform_6, window_bounds = array<i64: 128, 128>}, {pipeline_mode = #tpu.pipeline_mode<synchronous>, transform_indices = @transform_7, window_bounds = array<i64: 1, 128>}, {transform_indices = @transform_8, window_bounds = array<i64: 1000, 128>}]} {
    %get3A = arith.constant 0 : index
    %get3A_0 = arith.constant 0 : index
    %get3A_1 = vector.load %arg3[%get3A, %get3A_0] : memref<1000x1xf32, #tpu.memory_space<vmem>>, vector<1000x1xf32>
    %get3A_2 = arith.constant 0 : index
    %get3A_3 = arith.constant 0 : index
    %get3A_4 = vector.load %arg4[%get3A_2, %get3A_3] : memref<1000x1xf32, #tpu.memory_space<vmem>>, vector<1000x1xf32>
    %add3A = arith.addf %get3A_1, %get3A_4 : vector<1000x1xf32>
    %jit3A = arith.constant 1.000000e+00 : f32
    %max3A = vector.broadcast %jit3A : f32 to vector<1000x1xf32>
    %max3A_5 = arith.maximumf %max3A, %add3A : vector<1000x1xf32>
    %get3A_6 = arith.constant 0 : index
    %get3A_7 = arith.constant 0 : index
    %get3A_8 = vector.load %arg1[%get3A_6, %get3A_7] : memref<1000x128xf32, #tpu.memory_space<vmem>>, vector<1000x128xf32>
    %get3A_9 = arith.constant 0 : index
    %get3A_10 = arith.constant 0 : index
    %get3A_11 = vector.load %arg2[%get3A_9, %get3A_10] : memref<1000x128xf32, #tpu.memory_space<vmem>>, vector<1000x128xf32>
    %add3A_12 = arith.addf %get3A_8, %get3A_11 : vector<1000x128xf32>
    %div3A = vector.broadcast %max3A_5 : vector<1000x1xf32> to vector<1000x128xf32>
    %div3A_13 = arith.divf %add3A_12, %div3A : vector<1000x128xf32>
    %get3A_14 = arith.constant 0 : index
    %get3A_15 = arith.constant 0 : index
    %get3A_16 = vector.load %arg6[%get3A_14, %get3A_15] : memref<128x128xf32, #tpu.memory_space<vmem>>, vector<128x128xf32>
    %dot_general3A = arith.constant dense<0.000000e+00> : vector<1000x128xf32>
    %dot_general3A_17 = tpu.matmul %div3A_13, %get3A_16, %dot_general3A {dimension_numbers = #tpu.dot_dimension_numbers<[1], [0], [0], [1], [0, 0, 1, 1], [], []>, transpose_lhs_hint = false} : vector<1000x128xf32>, vector<128x128xf32>, vector<1000x128xf32> -> vector<1000x128xf32>
    %get3A_18 = arith.constant 0 : index
    %get3A_19 = arith.constant 0 : index
    %get3A_20 = vector.load %arg5[%get3A_18, %get3A_19] : memref<1000x128xf32, #tpu.memory_space<vmem>>, vector<1000x128xf32>
    %get3A_21 = arith.constant 0 : index
    %get3A_22 = arith.constant 0 : index
    %get3A_23 = vector.load %arg7[%get3A_21, %get3A_22] : memref<128x128xf32, #tpu.memory_space<vmem>>, vector<128x128xf32>
    %dot_general3A_24 = arith.constant dense<0.000000e+00> : vector<1000x128xf32>
    %dot_general3A_25 = tpu.matmul %get3A_20, %get3A_23, %dot_general3A_24 {dimension_numbers = #tpu.dot_dimension_numbers<[1], [0], [0], [1], [0, 0, 1, 1], [], []>, transpose_lhs_hint = false} : vector<1000x128xf32>, vector<128x128xf32>, vector<1000x128xf32> -> vector<1000x128xf32>
    %add3A_26 = arith.addf %dot_general3A_17, %dot_general3A_25 : vector<1000x128xf32>
    %get3A_27 = arith.constant 0 : index
    %get3A_28 = arith.constant 0 : index
    %get3A_29 = vector.load %arg8[%get3A_27, %get3A_28] : memref<1x128xf32, #tpu.memory_space<vmem>>, vector<1x128xf32>
    %add3A_30 = vector.broadcast %get3A_29 : vector<1x128xf32> to vector<1000x128xf32>
    %add3A_31 = arith.addf %add3A_26, %add3A_30 : vector<1000x128xf32>
    %swap3A = arith.constant 0 : index
    %swap3A_32 = arith.constant 0 : index
    %swap3A_33 = vector.load %arg9[%swap3A, %swap3A_32] : memref<1000x128xf32, #tpu.memory_space<vmem>>, vector<1000x128xf32>
    tpu.vector_store %arg9[%swap3A, %swap3A_32], %add3A_31 {strides = array<i32>} : memref<1000x128xf32, #tpu.memory_space<vmem>>, vector<1000x128xf32>,
    return
  }
  func.func @transform_0(%arg0: i32) -> (i32, i32) {
    %c0_i32 = arith.constant 0 : i32
    %c0_i32_0 = arith.constant 0 : i32
    return %arg0, %c0_i32 : i32, i32
  }
  func.func @transform_1(%arg0: i32) -> (i32, i32) {
    %c0_i32 = arith.constant 0 : i32
    %c0_i32_0 = arith.constant 0 : i32
    return %arg0, %c0_i32 : i32, i32
  }
  func.func @transform_2(%arg0: i32) -> (i32, i32) {
    %c0_i32 = arith.constant 0 : i32
    %c0_i32_0 = arith.constant 0 : i32
    return %arg0, %c0_i32 : i32, i32
  }
  func.func @transform_3(%arg0: i32) -> (i32, i32) {
    %c0_i32 = arith.constant 0 : i32
    %c0_i32_0 = arith.constant 0 : i32
    return %arg0, %c0_i32 : i32, i32
  }
  func.func @transform_4(%arg0: i32) -> (i32, i32) {
    %c0_i32 = arith.constant 0 : i32
    %c0_i32_0 = arith.constant 0 : i32
    return %arg0, %c0_i32 : i32, i32
  }
  func.func @transform_5(%arg0: i32) -> (i32, i32) {
    %c0_i32 = arith.constant 0 : i32
    %c0_i32_0 = arith.constant 0 : i32
    %c0_i32_1 = arith.constant 0 : i32
    return %c0_i32, %c0_i32_0 : i32, i32
  }
  func.func @transform_6(%arg0: i32) -> (i32, i32) {
    %c0_i32 = arith.constant 0 : i32
    %c0_i32_0 = arith.constant 0 : i32
    %c0_i32_1 = arith.constant 0 : i32
    return %c0_i32, %c0_i32_0 : i32, i32
  }
  func.func @transform_7(%arg0: i32) -> (i32, i32) {
    %c0_i32 = arith.constant 0 : i32
    %c0_i32_0 = arith.constant 0 : i32
    %c0_i32_1 = arith.constant 0 : i32
    return %c0_i32, %c0_i32_0 : i32, i32
  }
  func.func @transform_8(%arg0: i32) -> (i32, i32) {
    %c0_i32 = arith.constant 0 : i32
    %c0_i32_0 = arith.constant 0 : i32
    return %arg0, %c0_i32 : i32, i32
  }
}

</mosaic_0001>

<sc_bundles>
// kernel: kernel.10.cloned.1.call-start
scs
__scs_entry_jumppad:
0x0: {  	(pc) =	sbr.rel $0x88, $3  }
0x1: {  	(tag) =	ssettag $0x0;
	lr =	simm.s32 $0x1  }
0x2: {  	[smem:$0x3F99] =	sst lr;
	_ =	strace $0xD0000000  }
0x3: {  	_ = 	snop  }
0x4: {  	_ = 	snop  }
0x5: {  	_ = 	snop  }
0x6: {  	_ = 	snop  }
0x7: {  	_ = 	snop  }
__scs_overlays_trampoline_lowered:
0x8: {  	[smem:$0x3FA8] =	sst s0  }
0x9: {  	[smem:$0x3FA9] =	sst s1  }
0xa: {  	[smem:$0x3FAA] =	sst s2  }
0xb: {  	[smem:$0x3FAB] =	sst s3  }
0xc: {  	[smem:$0x3FAC] =	sst s4  }
0xd: {  	[smem:$0x3FAD] =	sst s5  }
0xe: {  	[smem:$0x3FAE] =	sst s6  }
0xf: {  	[smem:$0x3FAF] =	sst s7  }
0x10: {  	[smem:$0x3FB0] =	sst s8  }
0x11: {  	[smem:$0x3FB1] =	sst s9;
	s0 =	simm.s32 @!p0 $0x0  }
0x12: {  	s1 =	sld [smem:$0x3F97];
	s0 =	simm.s32 @p0 $0x1  }
0x13: {  	[smem:$0x3FB2] =	sst s0;
	s0 =	simm.s32 @!p1 $0x0  }
0x14: {  	s2 =	sld [smem:$0x3F96];
	s0 =	simm.s32 @p1 $0x1  }
0x15: {  	[smem:$0x3FB3] =	sst s0;
	s0 =	simm.s32 @!p2 $0x0  }
0x16: {  	s3 =	sld [smem:$0x3FDB];
	s0 =	simm.s32 @p2 $0x1  }
0x17: {  	s4 =	simm.s32 $0x1BF5;
	[smem:$0x3FB5] =	sst s0  }
0x18: {  	s0 =	sld [smem:$0x3F98];
	_ =	swait.ge [sflag:s4], $0x0  }
0x19: {  	s7 =	sld [smem:$0x3F99]  }
0x1a: {  	s8 =	sadd.s32 $0xFFFFE003, lr  }
0x1b: {  	s9 =	sadd.s32 $0xFFFFFEF7, lr;
	s5 =	simm.s32 $0xFFFFFFFF;
	p2 =	slt.u32 s8, $0xFFFFF086  }
0x1c: {  	p1 =	slt.u32 s9, $0xF7A;
	s5 =	simm.s32 @!p2 $0x0  }
0x1d: {  	s5 =	simm.s32 @p1 $0x1;
	p0 =	seq.s32 s7, s2  }
0x1e: {  	s7 =	smul.u32 @!p0 $0xF7A, s2;
	p2 =	seq.s32 @!p0 s5, $0x0  }
0x1f: {  	s9 =	smul.u32 $0xF7A, s1;
	s8 =	simm.s32 @!p0 $0x1BF5;
	p2 =	por !p2, p0  }
0x20: {  	[sflag:s8] =	ssyncset.s32 @!p0 $0xFFFFF086;
	s6 =	sadd.s32 @!p0 s3, s7;
	s7 =	simm.s32 @!p0 $0x108  }
0x21: {  	s3 =	sadd.s32 s3, s9;
	s6 =	sadd.s32 @!p0 $0x88, s6;
	s7 =	simm.s32 @p2 $0x1082  }
0x22: {  	[simem:s7], [sflag:s8] =	dma.local @!p0 [hbm:s6], $0xF7A  }
0x23: {  	s9 =	sor.u32 $0xD0000000, s2;
	s6 =	simm.s32 $0x108;
	_ =	swait.ge @!p0 [sflag:s8], $0x0  }
0x24: {  	s3 =	sadd.s32 $0x88, s3;
	s6 =	simm.s32 @!p1 $0x1082;
	[sflag:s4] =	ssyncset.s32 $0xFFFFF086  }
0x25: {  	[simem:s6], [sflag:s4] =	dma.local [hbm:s3], $0xF7A  }
0x26: {  	[smem:$0x3F99] =	sst s1;
	(tag) =	ssettag s2;
	_ =	strace s9  }
0x27: {  	s1 =	sld [smem:$0x3FA9]  }
0x28: {  	s2 =	sld [smem:$0x3FAA]  }
0x29: {  	s4 =	sld [smem:$0x3FAC]  }
0x2a: {  	p0 =	seq.s32 s5, $0x0;
	s5 =	sld [smem:$0x3FAD]  }
0x2b: {  	s6 =	sld [smem:$0x3FAE]  }
0x2c: {  	s7 =	sld [smem:$0x3FAF]  }
0x2d: {  	s3 =	simm.s32 $0x108;
	s8 =	sld [smem:$0x3FB0]  }
0x2e: {  	s3 =	simm.s32 @!p0 $0x1082;
	s9 =	sld [smem:$0x3FB1]  }
0x2f: {  	lr =	sadd.s32 s0, s3;
	s0 =	sld [smem:$0x3FA8]  }
0x30: {  	s3 =	sld [smem:$0x3FAB]  }
0x31: {  	[smem:$0x3FB4] =	sst s10  }
0x32: {  	s10 =	sld [smem:$0x3FB2];
	_ =	sdelay $0x3  }
0x33: {  	p0 =	seq.s32 s10, $0x1;
	s10 =	sld [smem:$0x3FB4];
	_ =	sdelay $0x3  }
0x34: {  	[smem:$0x3FB4] =	sst s10  }
0x35: {  	s10 =	sld [smem:$0x3FB3];
	_ =	sdelay $0x3  }
0x36: {  	p1 =	seq.s32 s10, $0x1;
	s10 =	sld [smem:$0x3FB4];
	_ =	sdelay $0x3  }
0x37: {  	[smem:$0x3FB4] =	sst s10  }
0x38: {  	s10 =	sld [smem:$0x3FB5]  }
0x39: {  	_ = 	snop;
	(pc) =	sbr.ind lr, $3  }
0x3a: {  	_ = 	snop  }
0x3b: {  	_ = 	snop  }
0x3c: {  	p2 =	seq.s32 s10, $0x1;
	s10 =	sld [smem:$0x3FB4]  }
0x3d: {  	_ =	shalt  }
0x3e: {  	_ =	shalt  }
0x3f: {  	_ =	shalt  }
0x40: {  	_ =	shalt  }
0x41: {  	_ =	shalt  }
0x42: {  	_ =	shalt  }
0x43: {  	_ =	shalt  }
0x44: {  	_ =	shalt  }
0x45: {  	_ =	shalt  }
0x46: {  	_ =	shalt  }
0x47: {  	_ =	shalt  }
0x48: {  	_ =	shalt  }
0x49: {  	_ =	shalt  }
0x4a: {  	_ =	shalt  }
0x4b: {  	_ =	shalt  }
0x4c: {  	_ =	shalt  }
0x4d: {  	_ =	shalt  }
0x4e: {  	_ =	shalt  }
0x4f: {  	_ =	shalt  }
0x50: {  	_ =	shalt  }
0x51: {  	_ =	shalt  }
0x52: {  	_ =	shalt  }
0x53: {  	_ =	shalt  }
0x54: {  	_ =	shalt  }
0x55: {  	_ =	shalt  }
0x56: {  	_ =	shalt  }
0x57: {  	_ =	shalt  }
0x58: {  	_ =	shalt  }
0x59: {  	_ =	shalt  }
0x5a: {  	_ =	shalt  }
0x5b: {  	_ =	shalt  }
0x5c: {  	_ =	shalt  }
0x5d: {  	_ =	shalt  }
0x5e: {  	_ =	shalt  }
0x5f: {  	_ =	shalt  }
0x60: {  	_ =	shalt  }
0x61: {  	_ =	shalt  }
0x62: {  	_ =	shalt  }
0x63: {  	_ =	shalt  }
0x64: {  	_ =	shalt  }
0x65: {  	_ =	shalt  }
0x66: {  	_ =	shalt  }
0x67: {  	_ =	shalt  }
0x68: {  	_ =	shalt  }
0x69: {  	_ =	shalt  }
0x6a: {  	_ =	shalt  }
0x6b: {  	_ =	shalt  }
0x6c: {  	_ =	shalt  }
0x6d: {  	_ =	shalt  }
0x6e: {  	_ =	shalt  }
0x6f: {  	_ =	shalt  }
0x70: {  	_ =	shalt  }
0x71: {  	_ =	shalt  }
0x72: {  	_ =	shalt  }
0x73: {  	_ =	shalt  }
0x74: {  	_ =	shalt  }
0x75: {  	_ =	shalt  }
0x76: {  	_ =	shalt  }
0x77: {  	_ =	shalt  }
0x78: {  	_ =	shalt  }
0x79: {  	_ =	shalt  }
0x7a: {  	_ =	shalt  }
0x7b: {  	_ =	shalt  }
0x7c: {  	_ =	shalt  }
0x7d: {  	_ =	shalt  }
0x7e: {  	_ =	shalt  }
0x7f: {  	_ =	shalt  }
0x80: {  	_ =	shalt  }
0x81: {  	_ =	shalt  }
0x82: {  	_ =	shalt  }
0x83: {  	_ =	shalt  }
0x84: {  	_ =	shalt  }
0x85: {  	_ =	shalt  }
0x86: {  	_ =	shalt  }
0x87: {  	_ =	shalt  }
.Lfunc_end0:
.L_simem_size_0:
called_computation.1_lowered:
.L_overlay_start_0:
0x88: {  	s2 =	sld [smem:$0x3FD9]  }
0x89: {  	s3 =	sld [smem:$0x3FFE];
	_ =	sdelay $0x1  }
0x8a: {  	s1 =	srdreg.scid  }
0x8b: {  	s0 =	sand.u32 $0x1, s1  }
0x8c: {  	s17 =	sshll.u32 s0, $0xA;
	s2 =	sadd.s32 s3, s2  }
0x8d: {  	s2 =	sadd.s32 s2, s17  }
0x8e: {  	[smem:$0x3FC0] =	sst s2  }
0x8f: {  	_ = 	snop  }
0x90: {  	s2 =	sld [smem:$0x3FC9];
	(tm) =	ssettm $0x1  }
0x91: {  	s18 =	sld [smem:$0x3FFB];
	_ =	sdelay $0x3  }
0x92: {  	_ =	strace s18  }
0x93: {  	s3 =	sld [smem:$0x3FFC];
	_ =	sdelay $0x3  }
0x94: {  	_ =	strace s3  }
0x95: {  	s3 =	sld [smem:$0x3FFD];
	_ =	sdelay $0x3  }
0x96: {  	_ =	strace s3  }
0x97: {  	_ =	strace $0x8FFFFFFF  }
0x98: {  	s19 =	sld [smem:$0x3FDB];
	_ =	sdelay $0x1  }
0x99: {  	s4 =	simm.s32 $_scs_section_size  }
0x9a: {  	s5 =	simm.s32 $_size__tile_overlayer_lowered;
	s6 =	simm.s32 $_tile_overlayer_lowered  }
0x9b: {  	s22 =	simm.s32 $0x1BFF;
	s21 =	sshll.u32 s6, $0x1;
	s3 =	sadd.s32 s4, s19  }
0x9c: {  	s7 =	simm.s32 $0x0;
	s20 =	sshll.u32 s5, $0x1;
	s5 =	sadd.s32 s21, s3  }
0x9d: {  	[timem:s7], [sflag:s22] =	dma.local [hbm:s5], s20  }
0x9e: {  	_ =	swait.ge [sflag:s22], s20  }
0x9f: {  	s4 =	ssub.s32 $0x0, s20;
	[sflag:s22] =	ssyncset.done $0x0  }
0xa0: {  	[sflag:s22] =	ssyncadd.s32 s4;
	_ =	sdelay $0x1  }
0xa1: {  	s23 =	simm.s32 $0x1B8B  }
0xa2: {  	_ =	swait.ge [sflag:s23], $0x1  }
0xa3: {  	[sflag:s23] =	ssyncset.done $0x0  }
0xa4: {  	s25 =	simm.s32 $0x1B8E;
	s24 =	sld [smem:$0x3FFE];
	[sflag:s23] =	ssyncadd.s32 $0xFFFFFFFF  }
0xa5: {  	s26 =	simm.s32 $execute0_lowered;
	[smem:$0x3FD2] =	sst s25  }
0xa6: {  	s5 =	sshll.u32 s26, $0x1;
	_ =	strace $0x80000046;
	[dreg:$0x1] =	wrdreg $0xFFFFFFFF  }
0xa7: {  	s28 =	simm.s32 $_size_execute0_lowered;
	s3 =	sadd.s32 s3, s5;
	[dreg:$0x0] =	wrdreg $0x0  }
0xa8: {  	s5 =	sshll.u32 s28, $0x1;
	[dreg:$0x2] =	wrdreg s3  }
0xa9: {  	[dreg:$0x3] =	wrdreg s5  }
0xaa: {  	[dreg:$0x4] =	wrdreg $0xC0  }
0xab: {  	_ =	task [dreg:s7], $0x5FFFF  }
0xac: {  	[dreg:$0x1] =	wrdreg $0xFFFFFFFF  }
0xad: {  	[dreg:$0x0] =	wrdreg $0x60  }
0xae: {  	[dreg:$0x2] =	wrdreg s2  }
0xaf: {  	[dreg:$0x3] =	wrdreg s24  }
0xb0: {  	[dreg:$0x4] =	wrdreg $0x82000  }
0xb1: {  	[dreg:$0x5] =	wrdreg $0xA  }
0xb2: {  	_ =	task.clear_ibuf [dreg:s7], $0x6FFFF;
	_ =	strace $0x90000046  }
0xb3: {  	s29 =	simm.s32 $0xA;
	_ =	strace $0x80000048  }
0xb4: {  	_ =	swait.ge [sflag:s29], $0x1  }
0xb5: {  	[sflag:s29] =	ssyncadd.s32 $0xFFFFFFFF  }
0xb6: {  	_ =	strace $0x90000048  }
0xb7: {  	_ =	sfence  }
0xb8: {  	s30 =	sld [smem:$0x0];
	_ =	sdelay $0x2  }
0xb9: {  	s31 =	sshll.u32 s1, $0xD;
	s1 =	sshrl.u32 s1, $0x2  }
0xba: {  	s3 =	sand.u32 $0x4000, s31;
	s1 =	sadd.s32 s1, s30  }
0xbb: {  	s0 =	sor.u32 s3, s0;
	s1 =	sshll.u32 s1, $0x11  }
0xbc: {  	s0 =	sor.u32 s1, s0  }
0xbd: {  	s0 =	sadd.s32 $0x8F2B, s0  }
0xbe: {  	[sflag:s0] =	ssyncadd.remote.s32 $0x1  }
0xbf: {  	_ =	sfence.sel $0xFFFF  }
0xc0: {  	[dreg:$0x0] =	wrdreg $0xFFFFFFFF;
	(pc) =	sbr.abs _section_cstart, $3  }
0xc1: {  	[dreg:$0x1] =	wrdreg $0xFFFFFFFF  }
0xc2: {  	_ =	task.clear_ibuf [dreg:s7], $0x2FFFF;
	_ =	strace $0x9FFFFFFF  }
0xc3: {  	(tm) =	ssettm $0x7FFFFFFF  }
tec
execute0_lowered:
.L_overlay_start_1:
0x0: {  	(tag) =	ssettag $0x1  }
0x1: {  	s1 =	rddreg [dreg:$0x0]  }
0x2: {  	s6 =	rddreg [dreg:$0x1]  }
0x3: {  	s2 =	rddreg [dreg:$0x2]  }
0x4: {  	s0 =	rddreg [dreg:$0x3];
	s4 =	simm.s32 $0x0;
	s3 =	srdreg.scid  }
0x5: {  	s17 =	simm.s32 $0x4;
	s18 =	simm.s32 $0x100;
	s19 =	simm.s32 $0x80  }
0x6: {  	s20 =	simm.s32 $0x200;
	s21 =	simm.s32 $0x1;
	s7 =	sand.u32 $0x1, s3  }
0x7: {  	s22 =	simm.s32 $0x180;
	s3 =	stileid.u32;
	s8 =	smul.u32 $0x13C000, s7  }
0x8: {  	s23 =	simm.s32 $0x4200;
	s24 =	simm.s32 $0x2;
	s9 =	smul.u32 $0x13C00, s3  }
0x9: {  	[smem:$0x7FF] =	sst s4;
	s10 =	sadd.s32 $0xBE00, s6;
	s12 =	smul.u32 $0x2A, s3  }
0xa: {  	s11 =	sadd.s32 $0x2000, s6;
	s5 =	sadd.s32 $0x15C00, s6;
	s14 =	smul.u32 $0x74, s3  }
0xb: {  	_ =	strace $0x80000047;
	s25 =	ssub.s32 $0x2, s7;
	s15 =	smul.u32 $0x4F000, s3  }
0xc: {  	p0 =	seq.s32 s7, $0x0;
	s29 =	sshll.u32 s3, $0x6;
	s13 =	sshrl.u32 s25, $0x1  }
0xd: {  	s8 =	sadd.s32 s9, s8;
	s7 =	sadd.s32 $0x740, s12;
	s13 =	ssub.s32 s25, s13  }
0xe: {  	s28 =	sshrl.u32 s15, $0x2;
	s9 =	simm.s32 $0x39;
	s25 =	simm.s32 $0x3  }
0xf: {  	s8 =	sshrl.u32 s8, $0x3;
	s7 =	smov.u32 @p0 s14;
	s16 =	sadd.s32 s28, s2  }
0x10: {  	s9 =	simm.s32 @!p0 $0x14;
	s13 =	smax.u32 s13, $0x1;
	s26 =	sadd.s32 s8, s6  }
0x11: {  	s30 =	sshll.u32 s7, $0x4;
	s6 =	sor.u32 $0x1C04, s29;
	s16 =	sshrl.u32 s16, $0x3  }
0x12: {  	s7 =	sadd.s32 s10, s30;
	s8 =	sadd.s32 s11, s30;
	s31 =	sor.u32 $0x10, s30  }
0x13: {  	s12 =	sadd.s32 $0x18400, s26;
	s26 =	simm.s32 $0x0;
	s10 =	sadd.s32 s10, s31  }
0x14: {  	s11 =	sadd.s32 s11, s31;
	s14 =	sadd.s32 $0x30, s8;
	s15 =	sadd.s32 $0x30, s7  }
.LBB2_1:
0x15: {  	[spmem:s16], [sflag:s6] =	dma.local [hbm:s5], $0x2780  }
0x16: {  	_ =	swait.ge [sflag:s17], $0x2780  }
0x17: {  	[sflag:s17] =	ssyncset.done $0x0  }
0x18: {  	[sflag:s17] =	ssyncadd.s32 $0xFFFFD880  }
0x19: {  	[bflag:$0x0] =	sbarrier.arrive $0xFFFF  }
0x1a: {  	[tilespmem:s4], [sflag:$0x4] =	stream.linear.gather [hbm4b:s7+s4], $0x80, $0x38;
	[tilespmem:$0x1BE00] =	vst v63  }
0x1b: {  	_ =	swait.ge [sflag:s17], $0x80  }
0x1c: {  	[sflag:s17] =	ssyncset.done $0x0  }
0x1d: {  	[sflag:s17] =	ssyncadd.s32 $0xFFFFFF80  }
0x1e: {  	[tilespmem:s18], [sflag:$0x4] =	stream.linear.gather [hbm4b:s8+s4], $0x80, $0x38;
	[tilespmem:$0x1BE00] =	vst v63  }
0x1f: {  	_ =	swait.ge [sflag:s17], $0x80  }
0x20: {  	[sflag:s17] =	ssyncset.done $0x0  }
0x21: {  	[sflag:s17] =	ssyncadd.s32 $0xFFFFFF80  }
0x22: {  	[tilespmem:s20], [sflag:$0x1] =	stream.indirect.gather [hbm4b:s1+s19], $0x80, s4, s19, $0xb8;
	[tilespmem:$0x1BE00] =	vst v63  }
0x23: {  	_ =	swait.ge [sflag:s21], $0x4000  }
0x24: {  	[sflag:s21] =	ssyncset.done $0x0  }
0x25: {  	[sflag:s21] =	ssyncadd.s32 $0xFFFFC000  }
0x26: {  	[spmem:s2] =	stream.indirect.scatter.add.f32 [tilespmem:s20], [sflag:$0x2], $0x80, s18, s19, $0xb8;
	[tilespmem:$0x1BE00] =	vst v63  }
0x27: {  	_ = 	snop  }
0x28: {  	[tilespmem:s19], [sflag:$0x4] =	stream.linear.gather [hbm4b:s10+s4], $0x80, $0x38;
	[tilespmem:$0x1BE00] =	vst v63  }
0x29: {  	_ =	swait.ge [sflag:s17], $0x80  }
0x2a: {  	[sflag:s17] =	ssyncset.done $0x0  }
0x2b: {  	[sflag:s17] =	ssyncadd.s32 $0xFFFFFF80  }
0x2c: {  	[tilespmem:s22], [sflag:$0x4] =	stream.linear.gather [hbm4b:s11+s4], $0x80, $0x38;
	[tilespmem:$0x1BE00] =	vst v63  }
0x2d: {  	_ =	swait.ge [sflag:s17], $0x80  }
0x2e: {  	[sflag:s17] =	ssyncset.done $0x0  }
0x2f: {  	[sflag:s17] =	ssyncadd.s32 $0xFFFFFF80  }
0x30: {  	[tilespmem:s23], [sflag:$0x1] =	stream.indirect.gather [hbm4b:s1+s19], $0x80, s19, s19, $0xb8;
	[tilespmem:$0x1BE00] =	vst v63  }
0x31: {  	_ =	swait.ge [sflag:s21], $0x4000  }
0x32: {  	[sflag:s21] =	ssyncset.done $0x0  }
0x33: {  	[sflag:s21] =	ssyncadd.s32 $0xFFFFC000  }
0x34: {  	[spmem:s2] =	stream.indirect.scatter.add.f32 [tilespmem:s23], [sflag:$0x3], $0x80, s22, s19, $0xb8;
	[tilespmem:$0x1BE00] =	vst v63  }
0x35: {  	_ =	swait.ge [sflag:s24], $0x4000  }
0x36: {  	[sflag:s24] =	ssyncset.done $0x0  }
0x37: {  	s28 =	sadd.s32 $0xFFFFFFF0, s15;
	[sflag:s24] =	ssyncadd.s32 $0xFFFFC000  }
0x38: {  	[tilespmem:s4], [sflag:$0x4] =	stream.linear.gather [hbm4b:s28+s4], $0x80, $0x38;
	[tilespmem:$0x1BE00] =	vst v63  }
0x39: {  	_ =	swait.ge [sflag:s17], $0x80  }
0x3a: {  	[sflag:s17] =	ssyncset.done $0x0  }
0x3b: {  	s28 =	sadd.s32 $0xFFFFFFF0, s14;
	[sflag:s17] =	ssyncadd.s32 $0xFFFFFF80  }
0x3c: {  	[tilespmem:s18], [sflag:$0x4] =	stream.linear.gather [hbm4b:s28+s4], $0x80, $0x38;
	[tilespmem:$0x1BE00] =	vst v63  }
0x3d: {  	_ =	swait.ge [sflag:s17], $0x80  }
0x3e: {  	[sflag:s17] =	ssyncset.done $0x0  }
0x3f: {  	[sflag:s17] =	ssyncadd.s32 $0xFFFFFF80  }
0x40: {  	[tilespmem:s20], [sflag:$0x1] =	stream.indirect.gather [hbm4b:s1+s19], $0x80, s4, s19, $0xb8;
	[tilespmem:$0x1BE00] =	vst v63  }
0x41: {  	_ =	swait.ge [sflag:s21], $0x4000  }
0x42: {  	[sflag:s21] =	ssyncset.done $0x0  }
0x43: {  	[sflag:s21] =	ssyncadd.s32 $0xFFFFC000  }
0x44: {  	[spmem:s2] =	stream.indirect.scatter.add.f32 [tilespmem:s20], [sflag:$0x2], $0x80, s18, s19, $0xb8;
	[tilespmem:$0x1BE00] =	vst v63  }
0x45: {  	_ =	swait.ge [sflag:s25], $0x4000  }
0x46: {  	[sflag:s25] =	ssyncset.done $0x0  }
0x47: {  	[sflag:s25] =	ssyncadd.s32 $0xFFFFC000  }
0x48: {  	[tilespmem:s19], [sflag:$0x4] =	stream.linear.gather [hbm4b:s15+s4], $0x80, $0x38;
	[tilespmem:$0x1BE00] =	vst v63  }
0x49: {  	_ =	swait.ge [sflag:s17], $0x80  }
0x4a: {  	[sflag:s17] =	ssyncset.done $0x0  }
0x4b: {  	[sflag:s17] =	ssyncadd.s32 $0xFFFFFF80  }
0x4c: {  	[tilespmem:s22], [sflag:$0x4] =	stream.linear.gather [hbm4b:s14+s4], $0x80, $0x38;
	[tilespmem:$0x1BE00] =	vst v63  }
0x4d: {  	_ =	swait.ge [sflag:s17], $0x80  }
0x4e: {  	p0 =	sne.s32 s9, $0x1;
	[sflag:s17] =	ssyncset.done $0x0  }
.Ltmp0:
0x4f: {  	[sflag:s17] =	ssyncadd.s32 $0xFFFFFF80;
	(pc) =	sbr.rel @!p0 .LBB2_3-.Ltmp0, $4  }
0x50: {  	[tilespmem:s23], [sflag:$0x1] =	stream.indirect.gather [hbm4b:s1+s19], $0x80, s19, s19, $0xb8;
	[tilespmem:$0x1BE00] =	vst v63  }
0x51: {  	_ =	swait.ge [sflag:s21], $0x4000  }
0x52: {  	s29 =	sadd.s32 $0x20, s14;
	[sflag:s21] =	ssyncset.done $0x0  }
0x53: {  	s30 =	sadd.s32 $0x20, s15;
	s28 =	sadd.s32 $0xFFFFFFFF, s9;
	[sflag:s21] =	ssyncadd.s32 $0xFFFFC000  }
.LBB2_2:
0x54: {  	[spmem:s2] =	stream.indirect.scatter.add.f32 [tilespmem:s23], [sflag:$0x3], $0x80, s22, s19, $0xb8;
	[tilespmem:$0x1BE00] =	vst v63  }
0x55: {  	p0 =	sne.s32 s28, $0x1;
	s28 =	sadd.s32 $0xFFFFFFFF, s28;
	_ =	swait.ge [sflag:s24], $0x4000  }
0x56: {  	[sflag:s24] =	ssyncset.done $0x0  }
0x57: {  	s31 =	sadd.s32 $0xFFFFFFF0, s30;
	[sflag:s24] =	ssyncadd.s32 $0xFFFFC000  }
0x58: {  	[tilespmem:s4], [sflag:$0x4] =	stream.linear.gather [hbm4b:s31+s4], $0x80, $0x38;
	[tilespmem:$0x1BE00] =	vst v63  }
0x59: {  	_ =	swait.ge [sflag:s17], $0x80  }
0x5a: {  	[sflag:s17] =	ssyncset.done $0x0  }
0x5b: {  	s31 =	sadd.s32 $0xFFFFFFF0, s29;
	[sflag:s17] =	ssyncadd.s32 $0xFFFFFF80  }
0x5c: {  	[tilespmem:s18], [sflag:$0x4] =	stream.linear.gather [hbm4b:s31+s4], $0x80, $0x38;
	[tilespmem:$0x1BE00] =	vst v63  }
0x5d: {  	_ =	swait.ge [sflag:s17], $0x80  }
0x5e: {  	[sflag:s17] =	ssyncset.done $0x0  }
0x5f: {  	[sflag:s17] =	ssyncadd.s32 $0xFFFFFF80  }
0x60: {  	[tilespmem:s20], [sflag:$0x1] =	stream.indirect.gather [hbm4b:s1+s19], $0x80, s4, s19, $0xb8;
	[tilespmem:$0x1BE00] =	vst v63  }
0x61: {  	_ =	swait.ge [sflag:s21], $0x4000  }
0x62: {  	[sflag:s21] =	ssyncset.done $0x0  }
0x63: {  	[sflag:s21] =	ssyncadd.s32 $0xFFFFC000  }
0x64: {  	[spmem:s2] =	stream.indirect.scatter.add.f32 [tilespmem:s20], [sflag:$0x2], $0x80, s18, s19, $0xb8;
	[tilespmem:$0x1BE00] =	vst v63  }
0x65: {  	_ =	swait.ge [sflag:s25], $0x4000  }
0x66: {  	[sflag:s25] =	ssyncset.done $0x0  }
0x67: {  	[sflag:s25] =	ssyncadd.s32 $0xFFFFC000  }
0x68: {  	[tilespmem:s19], [sflag:$0x4] =	stream.linear.gather [hbm4b:s30+s4], $0x80, $0x38;
	[tilespmem:$0x1BE00] =	vst v63  }
0x69: {  	_ =	swait.ge [sflag:s17], $0x80  }
0x6a: {  	[sflag:s17] =	ssyncset.done $0x0  }
0x6b: {  	[sflag:s17] =	ssyncadd.s32 $0xFFFFFF80  }
0x6c: {  	[tilespmem:s22], [sflag:$0x4] =	stream.linear.gather [hbm4b:s29+s4], $0x80, $0x38;
	[tilespmem:$0x1BE00] =	vst v63  }
0x6d: {  	_ =	swait.ge [sflag:s17], $0x80  }
0x6e: {  	[sflag:s17] =	ssyncset.done $0x0  }
.Ltmp1:
0x6f: {  	[sflag:s17] =	ssyncadd.s32 $0xFFFFFF80;
	(pc) =	sbr.rel @p0 .LBB2_2-.Ltmp1, $4  }
0x70: {  	[tilespmem:s23], [sflag:$0x1] =	stream.indirect.gather [hbm4b:s1+s19], $0x80, s19, s19, $0xb8;
	[tilespmem:$0x1BE00] =	vst v63  }
0x71: {  	_ =	swait.ge [sflag:s21], $0x4000  }
0x72: {  	[sflag:s21] =	ssyncset.done $0x0  }
0x73: {  	s30 =	sadd.s32 $0x20, s30;
	s29 =	sadd.s32 $0x20, s29;
	[sflag:s21] =	ssyncadd.s32 $0xFFFFC000  }
.LBB2_3:
0x74: {  	[spmem:s2] =	stream.indirect.scatter.add.f32 [tilespmem:s23], [sflag:$0x3], $0x80, s22, s19, $0xb8;
	[tilespmem:$0x1BE00] =	vst v63  }
0x75: {  	_ =	swait.ge [sflag:s24], $0x4000  }
0x76: {  	[sflag:s24] =	ssyncset.done $0x0  }
0x77: {  	[sflag:s24] =	ssyncadd.s32 $0xFFFFC000  }
0x78: {  	_ =	swait.ge [sflag:s25], $0x4000  }
0x79: {  	s26 =	sadd.s32 $0x1, s26;
	[sflag:s25] =	ssyncset.done $0x0  }
0x7a: {  	p0 =	sne.s32 s26, s13;
	[sflag:s25] =	ssyncadd.s32 $0xFFFFC000  }
.Ltmp2:
0x7b: {  	[bflag:$0x0] =	sbarrier.arrive $0xFFFF;
	(pc) =	sbr.rel @p0 .LBB2_1-.Ltmp2, $4  }
0x7c: {  	[hbm:s12], [sflag:s6] =	dma.local [spmem:s16], $0x2780  }
0x7d: {  	_ =	swait.ge [sflag:s17], $0x2780  }
0x7e: {  	[sflag:s17] =	ssyncset.done $0x0  }
0x7f: {  	[sflag:s17] =	ssyncadd.s32 $0xFFFFD880  }
0x80: {  	_ =	sfence.sel $0x180000  }
0x81: {  	[bflag:$0x0] =	sbarrier.arrive $0xFFFF  }
0x82: {  	p0 =	sne.s32 s3, $0x0;
	_ =	strace $0x90000047  }
0x83: {  	s0 =	sadd.s32 @!p0 $0x100000, s0;
	[bflag:$0x2] =	sbarrier.arrive $0xFFFF  }
0x84: {  	[sflag:s0] =	ssyncadd.tile.s32 @!p0 $0x1;
	_ =	shalt  }
.Lfunc_end2:
_tile_overlayer_lowered:
.L_overlay_start_2:
0x85: {  	(tag) =	ssettag $0x2  }
0x86: {  	s0 =	rddreg [dreg:$0x0];
	s2 =	stileid.u32  }
0x87: {  	s1 =	rddreg [dreg:$0x1];
	p0 =	sne.s32 s2, $0x0  }
0x88: {  	s3 =	rddreg [dreg:$0x2];
	[bflag:$0x3] =	sbarrier.arrive $0xFFFF;
	s2 =	simm.s32 @!p0 $0x1C04  }
0x89: {  	[timem:s3], [sflag:s2] =	dma.local @!p0 [hbm:s0], s1  }
0x8a: {  	s0 =	simm.s32 @!p0 $0x4  }
0x8b: {  	_ =	swait.ge @!p0 [sflag:s0], s1  }
0x8c: {  	s1 =	ssub.s32 @!p0 $0x0, s1;
	[sflag:s0] =	ssyncset.done @!p0 $0x0  }
0x8d: {  	[sflag:s0] =	ssyncadd.s32 @!p0 s1  }
0x8e: {  	[bflag:$0x3] =	sbarrier.arrive $0xFFFF  }
0x8f: {  	_ =	shalt  }

// kernel: kernel.13.cloned.1.call-start
scs
__scs_entry_jumppad:
0x0: {  	(pc) =	sbr.rel $0x88, $3  }
0x1: {  	(tag) =	ssettag $0x0;
	lr =	simm.s32 $0x1  }
0x2: {  	[smem:$0x3F99] =	sst lr;
	_ =	strace $0xD0000000  }
0x3: {  	_ = 	snop  }
0x4: {  	_ = 	snop  }
0x5: {  	_ = 	snop  }
0x6: {  	_ = 	snop  }
0x7: {  	_ = 	snop  }
__scs_overlays_trampoline_lowered:
0x8: {  	[smem:$0x3FA8] =	sst s0  }
0x9: {  	[smem:$0x3FA9] =	sst s1  }
0xa: {  	[smem:$0x3FAA] =	sst s2  }
0xb: {  	[smem:$0x3FAB] =	sst s3  }
0xc: {  	[smem:$0x3FAC] =	sst s4  }
0xd: {  	[smem:$0x3FAD] =	sst s5  }
0xe: {  	[smem:$0x3FAE] =	sst s6  }
0xf: {  	[smem:$0x3FAF] =	sst s7  }
0x10: {  	[smem:$0x3FB0] =	sst s8  }
0x11: {  	[smem:$0x3FB1] =	sst s9;
	s0 =	simm.s32 @!p0 $0x0  }
0x12: {  	s1 =	sld [smem:$0x3F97];
	s0 =	simm.s32 @p0 $0x1  }
0x13: {  	[smem:$0x3FB2] =	sst s0;
	s0 =	simm.s32 @!p1 $0x0  }
0x14: {  	s2 =	sld [smem:$0x3F96];
	s0 =	simm.s32 @p1 $0x1  }
0x15: {  	[smem:$0x3FB3] =	sst s0;
	s0 =	simm.s32 @!p2 $0x0  }
0x16: {  	s3 =	sld [smem:$0x3FDB];
	s0 =	simm.s32 @p2 $0x1  }
0x17: {  	s4 =	simm.s32 $0x1BF5;
	[smem:$0x3FB5] =	sst s0  }
0x18: {  	s0 =	sld [smem:$0x3F98];
	_ =	swait.ge [sflag:s4], $0x0  }
0x19: {  	s7 =	sld [smem:$0x3F99]  }
0x1a: {  	s8 =	sadd.s32 $0xFFFFE003, lr  }
0x1b: {  	s9 =	sadd.s32 $0xFFFFFEF7, lr;
	s5 =	simm.s32 $0xFFFFFFFF;
	p2 =	slt.u32 s8, $0xFFFFF086  }
0x1c: {  	p1 =	slt.u32 s9, $0xF7A;
	s5 =	simm.s32 @!p2 $0x0  }
0x1d: {  	s5 =	simm.s32 @p1 $0x1;
	p0 =	seq.s32 s7, s2  }
0x1e: {  	s7 =	smul.u32 @!p0 $0xF7A, s2;
	p2 =	seq.s32 @!p0 s5, $0x0  }
0x1f: {  	s9 =	smul.u32 $0xF7A, s1;
	s8 =	simm.s32 @!p0 $0x1BF5;
	p2 =	por !p2, p0  }
0x20: {  	[sflag:s8] =	ssyncset.s32 @!p0 $0xFFFFF086;
	s6 =	sadd.s32 @!p0 s3, s7;
	s7 =	simm.s32 @!p0 $0x108  }
0x21: {  	s3 =	sadd.s32 s3, s9;
	s6 =	sadd.s32 @!p0 $0x88, s6;
	s7 =	simm.s32 @p2 $0x1082  }
0x22: {  	[simem:s7], [sflag:s8] =	dma.local @!p0 [hbm:s6], $0xF7A  }
0x23: {  	s9 =	sor.u32 $0xD0000000, s2;
	s6 =	simm.s32 $0x108;
	_ =	swait.ge @!p0 [sflag:s8], $0x0  }
0x24: {  	s3 =	sadd.s32 $0x88, s3;
	s6 =	simm.s32 @!p1 $0x1082;
	[sflag:s4] =	ssyncset.s32 $0xFFFFF086  }
0x25: {  	[simem:s6], [sflag:s4] =	dma.local [hbm:s3], $0xF7A  }
0x26: {  	[smem:$0x3F99] =	sst s1;
	(tag) =	ssettag s2;
	_ =	strace s9  }
0x27: {  	s1 =	sld [smem:$0x3FA9]  }
0x28: {  	s2 =	sld [smem:$0x3FAA]  }
0x29: {  	s4 =	sld [smem:$0x3FAC]  }
0x2a: {  	p0 =	seq.s32 s5, $0x0;
	s5 =	sld [smem:$0x3FAD]  }
0x2b: {  	s6 =	sld [smem:$0x3FAE]  }
0x2c: {  	s7 =	sld [smem:$0x3FAF]  }
0x2d: {  	s3 =	simm.s32 $0x108;
	s8 =	sld [smem:$0x3FB0]  }
0x2e: {  	s3 =	simm.s32 @!p0 $0x1082;
	s9 =	sld [smem:$0x3FB1]  }
0x2f: {  	lr =	sadd.s32 s0, s3;
	s0 =	sld [smem:$0x3FA8]  }
0x30: {  	s3 =	sld [smem:$0x3FAB]  }
0x31: {  	[smem:$0x3FB4] =	sst s10  }
0x32: {  	s10 =	sld [smem:$0x3FB2];
	_ =	sdelay $0x3  }
0x33: {  	p0 =	seq.s32 s10, $0x1;
	s10 =	sld [smem:$0x3FB4];
	_ =	sdelay $0x3  }
0x34: {  	[smem:$0x3FB4] =	sst s10  }
0x35: {  	s10 =	sld [smem:$0x3FB3];
	_ =	sdelay $0x3  }
0x36: {  	p1 =	seq.s32 s10, $0x1;
	s10 =	sld [smem:$0x3FB4];
	_ =	sdelay $0x3  }
0x37: {  	[smem:$0x3FB4] =	sst s10  }
0x38: {  	s10 =	sld [smem:$0x3FB5]  }
0x39: {  	_ = 	snop;
	(pc) =	sbr.ind lr, $3  }
0x3a: {  	_ = 	snop  }
0x3b: {  	_ = 	snop  }
0x3c: {  	p2 =	seq.s32 s10, $0x1;
	s10 =	sld [smem:$0x3FB4]  }
0x3d: {  	_ =	shalt  }
0x3e: {  	_ =	shalt  }
0x3f: {  	_ =	shalt  }
0x40: {  	_ =	shalt  }
0x41: {  	_ =	shalt  }
0x42: {  	_ =	shalt  }
0x43: {  	_ =	shalt  }
0x44: {  	_ =	shalt  }
0x45: {  	_ =	shalt  }
0x46: {  	_ =	shalt  }
0x47: {  	_ =	shalt  }
0x48: {  	_ =	shalt  }
0x49: {  	_ =	shalt  }
0x4a: {  	_ =	shalt  }
0x4b: {  	_ =	shalt  }
0x4c: {  	_ =	shalt  }
0x4d: {  	_ =	shalt  }
0x4e: {  	_ =	shalt  }
0x4f: {  	_ =	shalt  }
0x50: {  	_ =	shalt  }
0x51: {  	_ =	shalt  }
0x52: {  	_ =	shalt  }
0x53: {  	_ =	shalt  }
0x54: {  	_ =	shalt  }
0x55: {  	_ =	shalt  }
0x56: {  	_ =	shalt  }
0x57: {  	_ =	shalt  }
0x58: {  	_ =	shalt  }
0x59: {  	_ =	shalt  }
0x5a: {  	_ =	shalt  }
0x5b: {  	_ =	shalt  }
0x5c: {  	_ =	shalt  }
0x5d: {  	_ =	shalt  }
0x5e: {  	_ =	shalt  }
0x5f: {  	_ =	shalt  }
0x60: {  	_ =	shalt  }
0x61: {  	_ =	shalt  }
0x62: {  	_ =	shalt  }
0x63: {  	_ =	shalt  }
0x64: {  	_ =	shalt  }
0x65: {  	_ =	shalt  }
0x66: {  	_ =	shalt  }
0x67: {  	_ =	shalt  }
0x68: {  	_ =	shalt  }
0x69: {  	_ =	shalt  }
0x6a: {  	_ =	shalt  }
0x6b: {  	_ =	shalt  }
0x6c: {  	_ =	shalt  }
0x6d: {  	_ =	shalt  }
0x6e: {  	_ =	shalt  }
0x6f: {  	_ =	shalt  }
0x70: {  	_ =	shalt  }
0x71: {  	_ =	shalt  }
0x72: {  	_ =	shalt  }
0x73: {  	_ =	shalt  }
0x74: {  	_ =	shalt  }
0x75: {  	_ =	shalt  }
0x76: {  	_ =	shalt  }
0x77: {  	_ =	shalt  }
0x78: {  	_ =	shalt  }
0x79: {  	_ =	shalt  }
0x7a: {  	_ =	shalt  }
0x7b: {  	_ =	shalt  }
0x7c: {  	_ =	shalt  }
0x7d: {  	_ =	shalt  }
0x7e: {  	_ =	shalt  }
0x7f: {  	_ =	shalt  }
0x80: {  	_ =	shalt  }
0x81: {  	_ =	shalt  }
0x82: {  	_ =	shalt  }
0x83: {  	_ =	shalt  }
0x84: {  	_ =	shalt  }
0x85: {  	_ =	shalt  }
0x86: {  	_ =	shalt  }
0x87: {  	_ =	shalt  }
.Lfunc_end0:
.L_simem_size_0:
called_computation.2_lowered:
.L_overlay_start_0:
0x88: {  	s2 =	sld [smem:$0x3FD9]  }
0x89: {  	s3 =	sld [smem:$0x3FFE];
	_ =	sdelay $0x1  }
0x8a: {  	s1 =	srdreg.scid  }
0x8b: {  	s0 =	sand.u32 $0x1, s1  }
0x8c: {  	s16 =	sshll.u32 s0, $0xA;
	s2 =	sadd.s32 s3, s2  }
0x8d: {  	s2 =	sadd.s32 s2, s16  }
0x8e: {  	[smem:$0x3FC0] =	sst s2  }
0x8f: {  	_ = 	snop  }
0x90: {  	(tm) =	ssettm $0x1  }
0x91: {  	s17 =	sld [smem:$0x3FFB];
	_ =	sdelay $0x3  }
0x92: {  	_ =	strace s17  }
0x93: {  	s2 =	sld [smem:$0x3FFC];
	_ =	sdelay $0x3  }
0x94: {  	_ =	strace s2  }
0x95: {  	s2 =	sld [smem:$0x3FFD];
	_ =	sdelay $0x3  }
0x96: {  	_ =	strace s2  }
0x97: {  	_ =	strace $0x8FFFFFFF  }
0x98: {  	s18 =	sld [smem:$0x3FDB];
	_ =	sdelay $0x1  }
0x99: {  	s19 =	simm.s32 $_scs_section_size  }
0x9a: {  	s4 =	simm.s32 $_size__tile_overlayer_lowered;
	s5 =	simm.s32 $_tile_overlayer_lowered  }
0x9b: {  	s22 =	simm.s32 $0x1BFF;
	s21 =	sshll.u32 s5, $0x1;
	s2 =	sadd.s32 s19, s18  }
0x9c: {  	s6 =	simm.s32 $0x0;
	s20 =	sshll.u32 s4, $0x1;
	s4 =	sadd.s32 s21, s2  }
0x9d: {  	[timem:s6], [sflag:s22] =	dma.local [hbm:s4], s20  }
0x9e: {  	_ =	swait.ge [sflag:s22], s20  }
0x9f: {  	s3 =	ssub.s32 $0x0, s20;
	[sflag:s22] =	ssyncset.done $0x0  }
0xa0: {  	[sflag:s22] =	ssyncadd.s32 s3;
	_ =	sdelay $0x1  }
0xa1: {  	s23 =	simm.s32 $0x1B8B  }
0xa2: {  	_ =	swait.ge [sflag:s23], $0x1  }
0xa3: {  	[sflag:s23] =	ssyncset.done $0x0  }
0xa4: {  	s25 =	simm.s32 $0x1B8E;
	s24 =	sld [smem:$0x3FFE];
	[sflag:s23] =	ssyncadd.s32 $0xFFFFFFFF  }
0xa5: {  	s26 =	simm.s32 $execute0_lowered;
	[smem:$0x3FD2] =	sst s25  }
0xa6: {  	s4 =	sshll.u32 s26, $0x1;
	_ =	strace $0x8000004C;
	[dreg:$0x1] =	wrdreg $0xFFFFFFFF  }
0xa7: {  	s28 =	simm.s32 $_size_execute0_lowered;
	s2 =	sadd.s32 s2, s4;
	[dreg:$0x0] =	wrdreg $0x0  }
0xa8: {  	s4 =	sshll.u32 s28, $0x1;
	[dreg:$0x2] =	wrdreg s2  }
0xa9: {  	[dreg:$0x3] =	wrdreg s4  }
0xaa: {  	[dreg:$0x4] =	wrdreg $0xC0  }
0xab: {  	_ =	task [dreg:s6], $0x5FFFF  }
0xac: {  	[dreg:$0x1] =	wrdreg $0xFFFFFFFF  }
0xad: {  	[dreg:$0x0] =	wrdreg $0x60  }
0xae: {  	[dreg:$0x2] =	wrdreg s24  }
0xaf: {  	[dreg:$0x3] =	wrdreg $0x82000  }
0xb0: {  	[dreg:$0x4] =	wrdreg $0x9  }
0xb1: {  	_ =	task.clear_ibuf [dreg:s6], $0x5FFFF;
	_ =	strace $0x9000004C  }
0xb2: {  	s29 =	simm.s32 $0x9;
	_ =	strace $0x8000004E  }
0xb3: {  	_ =	swait.ge [sflag:s29], $0x1  }
0xb4: {  	[sflag:s29] =	ssyncadd.s32 $0xFFFFFFFF  }
0xb5: {  	_ =	strace $0x9000004E  }
0xb6: {  	_ =	sfence  }
0xb7: {  	s30 =	sld [smem:$0x0];
	_ =	sdelay $0x2  }
0xb8: {  	s31 =	sshll.u32 s1, $0xD;
	s1 =	sshrl.u32 s1, $0x2  }
0xb9: {  	s3 =	sand.u32 $0x4000, s31;
	s1 =	sadd.s32 s1, s30  }
0xba: {  	s0 =	sor.u32 s3, s0;
	s1 =	sshll.u32 s1, $0x11  }
0xbb: {  	s0 =	sor.u32 s1, s0  }
0xbc: {  	s0 =	sadd.s32 $0x8F2B, s0  }
0xbd: {  	[sflag:s0] =	ssyncadd.remote.s32 $0x1  }
0xbe: {  	_ =	sfence.sel $0xFFFF  }
0xbf: {  	[dreg:$0x0] =	wrdreg $0xFFFFFFFF;
	(pc) =	sbr.abs _section_cstart, $3  }
0xc0: {  	[dreg:$0x1] =	wrdreg $0xFFFFFFFF  }
0xc1: {  	_ =	task.clear_ibuf [dreg:s6], $0x2FFFF;
	_ =	strace $0x9FFFFFFF  }
0xc2: {  	(tm) =	ssettm $0x7FFFFFFF  }
0xc3: {  	_ =	shalt  }
tec
execute0_lowered:
.L_overlay_start_1:
0x0: {  	(tag) =	ssettag $0x1  }
0x1: {  	s6 =	rddreg [dreg:$0x0]  }
0x2: {  	s1 =	rddreg [dreg:$0x1]  }
0x3: {  	s0 =	rddreg [dreg:$0x2]  }
0x4: {  	s3 =	simm.s32 $0x0;
	s2 =	srdreg.scid;
	s17 =	simm.s32 $0x4  }
0x5: {  	s18 =	simm.s32 $0x100;
	s19 =	simm.s32 $0x80;
	s20 =	simm.s32 $0x200  }
0x6: {  	s21 =	simm.s32 $0x1;
	s22 =	simm.s32 $0x180;
	s7 =	sand.u32 $0x1, s2  }
0x7: {  	s23 =	simm.s32 $0x4200;
	s2 =	stileid.u32;
	s8 =	smul.u32 $0x13C000, s7  }
0x8: {  	s24 =	simm.s32 $0x2;
	[smem:$0x7FF] =	sst s3;
	s9 =	smul.u32 $0x13C00, s2  }
0x9: {  	s4 =	sadd.s32 $0x18400, s6;
	s10 =	sadd.s32 $0xBE00, s6;
	s12 =	smul.u32 $0x2A, s2  }
0xa: {  	s11 =	sadd.s32 $0x2000, s6;
	s5 =	sadd.s32 $0x15C00, s6;
	s14 =	smul.u32 $0x74, s2  }
0xb: {  	_ =	strace $0x8000004D;
	s25 =	ssub.s32 $0x2, s7;
	s15 =	smul.u32 $0x4F000, s2  }
0xc: {  	p0 =	seq.s32 s7, $0x0;
	s29 =	sshll.u32 s2, $0x6;
	s13 =	sshrl.u32 s25, $0x1  }
0xd: {  	s8 =	sadd.s32 s9, s8;
	s7 =	sadd.s32 $0x740, s12;
	s13 =	ssub.s32 s25, s13  }
0xe: {  	s28 =	sshrl.u32 s15, $0x2;
	s9 =	simm.s32 $0x39;
	s25 =	simm.s32 $0x3  }
0xf: {  	s8 =	sshrl.u32 s8, $0x3;
	s7 =	smov.u32 @p0 s14;
	s16 =	sadd.s32 s28, s1  }
0x10: {  	s9 =	simm.s32 @!p0 $0x14;
	s13 =	smax.u32 s13, $0x1;
	s26 =	sadd.s32 s8, s6  }
0x11: {  	s30 =	sshll.u32 s7, $0x4;
	s6 =	sor.u32 $0x1C04, s29;
	s16 =	sshrl.u32 s16, $0x3  }
0x12: {  	s7 =	sadd.s32 s10, s30;
	s8 =	sadd.s32 s11, s30;
	s31 =	sor.u32 $0x10, s30  }
0x13: {  	s12 =	sadd.s32 $0x3F600, s26;
	s26 =	simm.s32 $0x0;
	s10 =	sadd.s32 s10, s31  }
0x14: {  	s11 =	sadd.s32 s11, s31;
	s14 =	sadd.s32 $0x30, s8;
	s15 =	sadd.s32 $0x30, s7  }
.LBB2_1:
0x15: {  	[spmem:s16], [sflag:s6] =	dma.local [hbm:s5], $0x2780  }
0x16: {  	_ =	swait.ge [sflag:s17], $0x2780  }
0x17: {  	[sflag:s17] =	ssyncset.done $0x0  }
0x18: {  	[sflag:s17] =	ssyncadd.s32 $0xFFFFD880  }
0x19: {  	[bflag:$0x0] =	sbarrier.arrive $0xFFFF  }
0x1a: {  	[tilespmem:s3], [sflag:$0x4] =	stream.linear.gather [hbm4b:s7+s3], $0x80, $0x38;
	[tilespmem:$0x1BE00] =	vst v63  }
0x1b: {  	_ =	swait.ge [sflag:s17], $0x80  }
0x1c: {  	[sflag:s17] =	ssyncset.done $0x0  }
0x1d: {  	[sflag:s17] =	ssyncadd.s32 $0xFFFFFF80  }
0x1e: {  	[tilespmem:s18], [sflag:$0x4] =	stream.linear.gather [hbm4b:s8+s3], $0x80, $0x38;
	[tilespmem:$0x1BE00] =	vst v63  }
0x1f: {  	_ =	swait.ge [sflag:s17], $0x80  }
0x20: {  	[sflag:s17] =	ssyncset.done $0x0  }
0x21: {  	[sflag:s17] =	ssyncadd.s32 $0xFFFFFF80  }
0x22: {  	[tilespmem:s20], [sflag:$0x1] =	stream.indirect.gather [hbm4b:s4+s19], $0x80, s3, s19, $0xb8;
	[tilespmem:$0x1BE00] =	vst v63  }
0x23: {  	_ =	swait.ge [sflag:s21], $0x4000  }
0x24: {  	[sflag:s21] =	ssyncset.done $0x0  }
0x25: {  	[sflag:s21] =	ssyncadd.s32 $0xFFFFC000  }
0x26: {  	[spmem:s1] =	stream.indirect.scatter.add.f32 [tilespmem:s20], [sflag:$0x2], $0x80, s18, s19, $0xb8;
	[tilespmem:$0x1BE00] =	vst v63  }
0x27: {  	_ = 	snop  }
0x28: {  	[tilespmem:s19], [sflag:$0x4] =	stream.linear.gather [hbm4b:s10+s3], $0x80, $0x38;
	[tilespmem:$0x1BE00] =	vst v63  }
0x29: {  	_ =	swait.ge [sflag:s17], $0x80  }
0x2a: {  	[sflag:s17] =	ssyncset.done $0x0  }
0x2b: {  	[sflag:s17] =	ssyncadd.s32 $0xFFFFFF80  }
0x2c: {  	[tilespmem:s22], [sflag:$0x4] =	stream.linear.gather [hbm4b:s11+s3], $0x80, $0x38;
	[tilespmem:$0x1BE00] =	vst v63  }
0x2d: {  	_ =	swait.ge [sflag:s17], $0x80  }
0x2e: {  	[sflag:s17] =	ssyncset.done $0x0  }
0x2f: {  	[sflag:s17] =	ssyncadd.s32 $0xFFFFFF80  }
0x30: {  	[tilespmem:s23], [sflag:$0x1] =	stream.indirect.gather [hbm4b:s4+s19], $0x80, s19, s19, $0xb8;
	[tilespmem:$0x1BE00] =	vst v63  }
0x31: {  	_ =	swait.ge [sflag:s21], $0x4000  }
0x32: {  	[sflag:s21] =	ssyncset.done $0x0  }
0x33: {  	[sflag:s21] =	ssyncadd.s32 $0xFFFFC000  }
0x34: {  	[spmem:s1] =	stream.indirect.scatter.add.f32 [tilespmem:s23], [sflag:$0x3], $0x80, s22, s19, $0xb8;
	[tilespmem:$0x1BE00] =	vst v63  }
0x35: {  	_ =	swait.ge [sflag:s24], $0x4000  }
0x36: {  	[sflag:s24] =	ssyncset.done $0x0  }
0x37: {  	s28 =	sadd.s32 $0xFFFFFFF0, s15;
	[sflag:s24] =	ssyncadd.s32 $0xFFFFC000  }
0x38: {  	[tilespmem:s3], [sflag:$0x4] =	stream.linear.gather [hbm4b:s28+s3], $0x80, $0x38;
	[tilespmem:$0x1BE00] =	vst v63  }
0x39: {  	_ =	swait.ge [sflag:s17], $0x80  }
0x3a: {  	[sflag:s17] =	ssyncset.done $0x0  }
0x3b: {  	s28 =	sadd.s32 $0xFFFFFFF0, s14;
	[sflag:s17] =	ssyncadd.s32 $0xFFFFFF80  }
0x3c: {  	[tilespmem:s18], [sflag:$0x4] =	stream.linear.gather [hbm4b:s28+s3], $0x80, $0x38;
	[tilespmem:$0x1BE00] =	vst v63  }
0x3d: {  	_ =	swait.ge [sflag:s17], $0x80  }
0x3e: {  	[sflag:s17] =	ssyncset.done $0x0  }
0x3f: {  	[sflag:s17] =	ssyncadd.s32 $0xFFFFFF80  }
0x40: {  	[tilespmem:s20], [sflag:$0x1] =	stream.indirect.gather [hbm4b:s4+s19], $0x80, s3, s19, $0xb8;
	[tilespmem:$0x1BE00] =	vst v63  }
0x41: {  	_ =	swait.ge [sflag:s21], $0x4000  }
0x42: {  	[sflag:s21] =	ssyncset.done $0x0  }
0x43: {  	[sflag:s21] =	ssyncadd.s32 $0xFFFFC000  }
0x44: {  	[spmem:s1] =	stream.indirect.scatter.add.f32 [tilespmem:s20], [sflag:$0x2], $0x80, s18, s19, $0xb8;
	[tilespmem:$0x1BE00] =	vst v63  }
0x45: {  	_ =	swait.ge [sflag:s25], $0x4000  }
0x46: {  	[sflag:s25] =	ssyncset.done $0x0  }
0x47: {  	[sflag:s25] =	ssyncadd.s32 $0xFFFFC000  }
0x48: {  	[tilespmem:s19], [sflag:$0x4] =	stream.linear.gather [hbm4b:s15+s3], $0x80, $0x38;
	[tilespmem:$0x1BE00] =	vst v63  }
0x49: {  	_ =	swait.ge [sflag:s17], $0x80  }
0x4a: {  	[sflag:s17] =	ssyncset.done $0x0  }
0x4b: {  	[sflag:s17] =	ssyncadd.s32 $0xFFFFFF80  }
0x4c: {  	[tilespmem:s22], [sflag:$0x4] =	stream.linear.gather [hbm4b:s14+s3], $0x80, $0x38;
	[tilespmem:$0x1BE00] =	vst v63  }
0x4d: {  	_ =	swait.ge [sflag:s17], $0x80  }
0x4e: {  	p0 =	sne.s32 s9, $0x1;
	[sflag:s17] =	ssyncset.done $0x0  }
.Ltmp0:
0x4f: {  	[sflag:s17] =	ssyncadd.s32 $0xFFFFFF80;
	(pc) =	sbr.rel @!p0 .LBB2_3-.Ltmp0, $4  }
0x50: {  	[tilespmem:s23], [sflag:$0x1] =	stream.indirect.gather [hbm4b:s4+s19], $0x80, s19, s19, $0xb8;
	[tilespmem:$0x1BE00] =	vst v63  }
0x51: {  	_ =	swait.ge [sflag:s21], $0x4000  }
0x52: {  	s29 =	sadd.s32 $0x20, s14;
	[sflag:s21] =	ssyncset.done $0x0  }
0x53: {  	s30 =	sadd.s32 $0x20, s15;
	s28 =	sadd.s32 $0xFFFFFFFF, s9;
	[sflag:s21] =	ssyncadd.s32 $0xFFFFC000  }
.LBB2_2:
0x54: {  	[spmem:s1] =	stream.indirect.scatter.add.f32 [tilespmem:s23], [sflag:$0x3], $0x80, s22, s19, $0xb8;
	[tilespmem:$0x1BE00] =	vst v63  }
0x55: {  	p0 =	sne.s32 s28, $0x1;
	s28 =	sadd.s32 $0xFFFFFFFF, s28;
	_ =	swait.ge [sflag:s24], $0x4000  }
0x56: {  	[sflag:s24] =	ssyncset.done $0x0  }
0x57: {  	s31 =	sadd.s32 $0xFFFFFFF0, s30;
	[sflag:s24] =	ssyncadd.s32 $0xFFFFC000  }
0x58: {  	[tilespmem:s3], [sflag:$0x4] =	stream.linear.gather [hbm4b:s31+s3], $0x80, $0x38;
	[tilespmem:$0x1BE00] =	vst v63  }
0x59: {  	_ =	swait.ge [sflag:s17], $0x80  }
0x5a: {  	[sflag:s17] =	ssyncset.done $0x0  }
0x5b: {  	s31 =	sadd.s32 $0xFFFFFFF0, s29;
	[sflag:s17] =	ssyncadd.s32 $0xFFFFFF80  }
0x5c: {  	[tilespmem:s18], [sflag:$0x4] =	stream.linear.gather [hbm4b:s31+s3], $0x80, $0x38;
	[tilespmem:$0x1BE00] =	vst v63  }
0x5d: {  	_ =	swait.ge [sflag:s17], $0x80  }
0x5e: {  	[sflag:s17] =	ssyncset.done $0x0  }
0x5f: {  	[sflag:s17] =	ssyncadd.s32 $0xFFFFFF80  }
0x60: {  	[tilespmem:s20], [sflag:$0x1] =	stream.indirect.gather [hbm4b:s4+s19], $0x80, s3, s19, $0xb8;
	[tilespmem:$0x1BE00] =	vst v63  }
0x61: {  	_ =	swait.ge [sflag:s21], $0x4000  }
0x62: {  	[sflag:s21] =	ssyncset.done $0x0  }
0x63: {  	[sflag:s21] =	ssyncadd.s32 $0xFFFFC000  }
0x64: {  	[spmem:s1] =	stream.indirect.scatter.add.f32 [tilespmem:s20], [sflag:$0x2], $0x80, s18, s19, $0xb8;
	[tilespmem:$0x1BE00] =	vst v63  }
0x65: {  	_ =	swait.ge [sflag:s25], $0x4000  }
0x66: {  	[sflag:s25] =	ssyncset.done $0x0  }
0x67: {  	[sflag:s25] =	ssyncadd.s32 $0xFFFFC000  }
0x68: {  	[tilespmem:s19], [sflag:$0x4] =	stream.linear.gather [hbm4b:s30+s3], $0x80, $0x38;
	[tilespmem:$0x1BE00] =	vst v63  }
0x69: {  	_ =	swait.ge [sflag:s17], $0x80  }
0x6a: {  	[sflag:s17] =	ssyncset.done $0x0  }
0x6b: {  	[sflag:s17] =	ssyncadd.s32 $0xFFFFFF80  }
0x6c: {  	[tilespmem:s22], [sflag:$0x4] =	stream.linear.gather [hbm4b:s29+s3], $0x80, $0x38;
	[tilespmem:$0x1BE00] =	vst v63  }
0x6d: {  	_ =	swait.ge [sflag:s17], $0x80  }
0x6e: {  	[sflag:s17] =	ssyncset.done $0x0  }
.Ltmp1:
0x6f: {  	[sflag:s17] =	ssyncadd.s32 $0xFFFFFF80;
	(pc) =	sbr.rel @p0 .LBB2_2-.Ltmp1, $4  }
0x70: {  	[tilespmem:s23], [sflag:$0x1] =	stream.indirect.gather [hbm4b:s4+s19], $0x80, s19, s19, $0xb8;
	[tilespmem:$0x1BE00] =	vst v63  }
0x71: {  	_ =	swait.ge [sflag:s21], $0x4000  }
0x72: {  	[sflag:s21] =	ssyncset.done $0x0  }
0x73: {  	s30 =	sadd.s32 $0x20, s30;
	s29 =	sadd.s32 $0x20, s29;
	[sflag:s21] =	ssyncadd.s32 $0xFFFFC000  }
.LBB2_3:
0x74: {  	[spmem:s1] =	stream.indirect.scatter.add.f32 [tilespmem:s23], [sflag:$0x3], $0x80, s22, s19, $0xb8;
	[tilespmem:$0x1BE00] =	vst v63  }
0x75: {  	_ =	swait.ge [sflag:s24], $0x4000  }
0x76: {  	[sflag:s24] =	ssyncset.done $0x0  }
0x77: {  	[sflag:s24] =	ssyncadd.s32 $0xFFFFC000  }
0x78: {  	_ =	swait.ge [sflag:s25], $0x4000  }
0x79: {  	s26 =	sadd.s32 $0x1, s26;
	[sflag:s25] =	ssyncset.done $0x0  }
0x7a: {  	p0 =	sne.s32 s26, s13;
	[sflag:s25] =	ssyncadd.s32 $0xFFFFC000  }
.Ltmp2:
0x7b: {  	[bflag:$0x0] =	sbarrier.arrive $0xFFFF;
	(pc) =	sbr.rel @p0 .LBB2_1-.Ltmp2, $4  }
0x7c: {  	[hbm:s12], [sflag:s6] =	dma.local [spmem:s16], $0x2780  }
0x7d: {  	_ =	swait.ge [sflag:s17], $0x2780  }
0x7e: {  	[sflag:s17] =	ssyncset.done $0x0  }
0x7f: {  	[sflag:s17] =	ssyncadd.s32 $0xFFFFD880  }
0x80: {  	_ =	sfence.sel $0x180000  }
0x81: {  	[bflag:$0x0] =	sbarrier.arrive $0xFFFF  }
0x82: {  	p0 =	sne.s32 s2, $0x0;
	_ =	strace $0x9000004D  }
0x83: {  	s0 =	sadd.s32 @!p0 $0x100000, s0;
	[bflag:$0x2] =	sbarrier.arrive $0xFFFF  }
0x84: {  	[sflag:s0] =	ssyncadd.tile.s32 @!p0 $0x1;
	_ =	shalt  }
.Lfunc_end2:
_tile_overlayer_lowered:
.L_overlay_start_2:
0x85: {  	(tag) =	ssettag $0x2  }
0x86: {  	s0 =	rddreg [dreg:$0x0];
	s2 =	stileid.u32  }
0x87: {  	s1 =	rddreg [dreg:$0x1];
	p0 =	sne.s32 s2, $0x0  }
0x88: {  	s3 =	rddreg [dreg:$0x2];
	[bflag:$0x3] =	sbarrier.arrive $0xFFFF;
	s2 =	simm.s32 @!p0 $0x1C04  }
0x89: {  	[timem:s3], [sflag:s2] =	dma.local @!p0 [hbm:s0], s1  }
0x8a: {  	s0 =	simm.s32 @!p0 $0x4  }
0x8b: {  	_ =	swait.ge @!p0 [sflag:s0], s1  }
0x8c: {  	s1 =	ssub.s32 @!p0 $0x0, s1;
	[sflag:s0] =	ssyncset.done @!p0 $0x0  }
0x8d: {  	[sflag:s0] =	ssyncadd.s32 @!p0 s1  }
0x8e: {  	[bflag:$0x3] =	sbarrier.arrive $0xFFFF  }
0x8f: {  	_ =	shalt  }

// kernel: kernel.7.cloned.1.call-start
scs
__scs_entry_jumppad:
0x0: {  	(pc) =	sbr.rel $0x88, $3  }
0x1: {  	(tag) =	ssettag $0x0;
	lr =	simm.s32 $0x1  }
0x2: {  	[smem:$0x3F99] =	sst lr;
	_ =	strace $0xD0000000  }
0x3: {  	_ = 	snop  }
0x4: {  	_ = 	snop  }
0x5: {  	_ = 	snop  }
0x6: {  	_ = 	snop  }
0x7: {  	_ = 	snop  }
__scs_overlays_trampoline_lowered:
0x8: {  	[smem:$0x3FA8] =	sst s0  }
0x9: {  	[smem:$0x3FA9] =	sst s1  }
0xa: {  	[smem:$0x3FAA] =	sst s2  }
0xb: {  	[smem:$0x3FAB] =	sst s3  }
0xc: {  	[smem:$0x3FAC] =	sst s4  }
0xd: {  	[smem:$0x3FAD] =	sst s5  }
0xe: {  	[smem:$0x3FAE] =	sst s6  }
0xf: {  	[smem:$0x3FAF] =	sst s7  }
0x10: {  	[smem:$0x3FB0] =	sst s8  }
0x11: {  	[smem:$0x3FB1] =	sst s9;
	s0 =	simm.s32 @!p0 $0x0  }
0x12: {  	s1 =	sld [smem:$0x3F97];
	s0 =	simm.s32 @p0 $0x1  }
0x13: {  	[smem:$0x3FB2] =	sst s0;
	s0 =	simm.s32 @!p1 $0x0  }
0x14: {  	s2 =	sld [smem:$0x3F96];
	s0 =	simm.s32 @p1 $0x1  }
0x15: {  	[smem:$0x3FB3] =	sst s0;
	s0 =	simm.s32 @!p2 $0x0  }
0x16: {  	s3 =	sld [smem:$0x3FDB];
	s0 =	simm.s32 @p2 $0x1  }
0x17: {  	s4 =	simm.s32 $0x1BF5;
	[smem:$0x3FB5] =	sst s0  }
0x18: {  	s0 =	sld [smem:$0x3F98];
	_ =	swait.ge [sflag:s4], $0x0  }
0x19: {  	s7 =	sld [smem:$0x3F99]  }
0x1a: {  	s8 =	sadd.s32 $0xFFFFE003, lr  }
0x1b: {  	s9 =	sadd.s32 $0xFFFFFEF7, lr;
	s5 =	simm.s32 $0xFFFFFFFF;
	p2 =	slt.u32 s8, $0xFFFFF086  }
0x1c: {  	p1 =	slt.u32 s9, $0xF7A;
	s5 =	simm.s32 @!p2 $0x0  }
0x1d: {  	s5 =	simm.s32 @p1 $0x1;
	p0 =	seq.s32 s7, s2  }
0x1e: {  	s7 =	smul.u32 @!p0 $0xF7A, s2;
	p2 =	seq.s32 @!p0 s5, $0x0  }
0x1f: {  	s9 =	smul.u32 $0xF7A, s1;
	s8 =	simm.s32 @!p0 $0x1BF5;
	p2 =	por !p2, p0  }
0x20: {  	[sflag:s8] =	ssyncset.s32 @!p0 $0xFFFFF086;
	s6 =	sadd.s32 @!p0 s3, s7;
	s7 =	simm.s32 @!p0 $0x108  }
0x21: {  	s3 =	sadd.s32 s3, s9;
	s6 =	sadd.s32 @!p0 $0x88, s6;
	s7 =	simm.s32 @p2 $0x1082  }
0x22: {  	[simem:s7], [sflag:s8] =	dma.local @!p0 [hbm:s6], $0xF7A  }
0x23: {  	s9 =	sor.u32 $0xD0000000, s2;
	s6 =	simm.s32 $0x108;
	_ =	swait.ge @!p0 [sflag:s8], $0x0  }
0x24: {  	s3 =	sadd.s32 $0x88, s3;
	s6 =	simm.s32 @!p1 $0x1082;
	[sflag:s4] =	ssyncset.s32 $0xFFFFF086  }
0x25: {  	[simem:s6], [sflag:s4] =	dma.local [hbm:s3], $0xF7A  }
0x26: {  	[smem:$0x3F99] =	sst s1;
	(tag) =	ssettag s2;
	_ =	strace s9  }
0x27: {  	s1 =	sld [smem:$0x3FA9]  }
0x28: {  	s2 =	sld [smem:$0x3FAA]  }
0x29: {  	s4 =	sld [smem:$0x3FAC]  }
0x2a: {  	p0 =	seq.s32 s5, $0x0;
	s5 =	sld [smem:$0x3FAD]  }
0x2b: {  	s6 =	sld [smem:$0x3FAE]  }
0x2c: {  	s7 =	sld [smem:$0x3FAF]  }
0x2d: {  	s3 =	simm.s32 $0x108;
	s8 =	sld [smem:$0x3FB0]  }
0x2e: {  	s3 =	simm.s32 @!p0 $0x1082;
	s9 =	sld [smem:$0x3FB1]  }
0x2f: {  	lr =	sadd.s32 s0, s3;
	s0 =	sld [smem:$0x3FA8]  }
0x30: {  	s3 =	sld [smem:$0x3FAB]  }
0x31: {  	[smem:$0x3FB4] =	sst s10  }
0x32: {  	s10 =	sld [smem:$0x3FB2];
	_ =	sdelay $0x3  }
0x33: {  	p0 =	seq.s32 s10, $0x1;
	s10 =	sld [smem:$0x3FB4];
	_ =	sdelay $0x3  }
0x34: {  	[smem:$0x3FB4] =	sst s10  }
0x35: {  	s10 =	sld [smem:$0x3FB3];
	_ =	sdelay $0x3  }
0x36: {  	p1 =	seq.s32 s10, $0x1;
	s10 =	sld [smem:$0x3FB4];
	_ =	sdelay $0x3  }
0x37: {  	[smem:$0x3FB4] =	sst s10  }
0x38: {  	s10 =	sld [smem:$0x3FB5]  }
0x39: {  	_ = 	snop;
	(pc) =	sbr.ind lr, $3  }
0x3a: {  	_ = 	snop  }
0x3b: {  	_ = 	snop  }
0x3c: {  	p2 =	seq.s32 s10, $0x1;
	s10 =	sld [smem:$0x3FB4]  }
0x3d: {  	_ =	shalt  }
0x3e: {  	_ =	shalt  }
0x3f: {  	_ =	shalt  }
0x40: {  	_ =	shalt  }
0x41: {  	_ =	shalt  }
0x42: {  	_ =	shalt  }
0x43: {  	_ =	shalt  }
0x44: {  	_ =	shalt  }
0x45: {  	_ =	shalt  }
0x46: {  	_ =	shalt  }
0x47: {  	_ =	shalt  }
0x48: {  	_ =	shalt  }
0x49: {  	_ =	shalt  }
0x4a: {  	_ =	shalt  }
0x4b: {  	_ =	shalt  }
0x4c: {  	_ =	shalt  }
0x4d: {  	_ =	shalt  }
0x4e: {  	_ =	shalt  }
0x4f: {  	_ =	shalt  }
0x50: {  	_ =	shalt  }
0x51: {  	_ =	shalt  }
0x52: {  	_ =	shalt  }
0x53: {  	_ =	shalt  }
0x54: {  	_ =	shalt  }
0x55: {  	_ =	shalt  }
0x56: {  	_ =	shalt  }
0x57: {  	_ =	shalt  }
0x58: {  	_ =	shalt  }
0x59: {  	_ =	shalt  }
0x5a: {  	_ =	shalt  }
0x5b: {  	_ =	shalt  }
0x5c: {  	_ =	shalt  }
0x5d: {  	_ =	shalt  }
0x5e: {  	_ =	shalt  }
0x5f: {  	_ =	shalt  }
0x60: {  	_ =	shalt  }
0x61: {  	_ =	shalt  }
0x62: {  	_ =	shalt  }
0x63: {  	_ =	shalt  }
0x64: {  	_ =	shalt  }
0x65: {  	_ =	shalt  }
0x66: {  	_ =	shalt  }
0x67: {  	_ =	shalt  }
0x68: {  	_ =	shalt  }
0x69: {  	_ =	shalt  }
0x6a: {  	_ =	shalt  }
0x6b: {  	_ =	shalt  }
0x6c: {  	_ =	shalt  }
0x6d: {  	_ =	shalt  }
0x6e: {  	_ =	shalt  }
0x6f: {  	_ =	shalt  }
0x70: {  	_ =	shalt  }
0x71: {  	_ =	shalt  }
0x72: {  	_ =	shalt  }
0x73: {  	_ =	shalt  }
0x74: {  	_ =	shalt  }
0x75: {  	_ =	shalt  }
0x76: {  	_ =	shalt  }
0x77: {  	_ =	shalt  }
0x78: {  	_ =	shalt  }
0x79: {  	_ =	shalt  }
0x7a: {  	_ =	shalt  }
0x7b: {  	_ =	shalt  }
0x7c: {  	_ =	shalt  }
0x7d: {  	_ =	shalt  }
0x7e: {  	_ =	shalt  }
0x7f: {  	_ =	shalt  }
0x80: {  	_ =	shalt  }
0x81: {  	_ =	shalt  }
0x82: {  	_ =	shalt  }
0x83: {  	_ =	shalt  }
0x84: {  	_ =	shalt  }
0x85: {  	_ =	shalt  }
0x86: {  	_ =	shalt  }
0x87: {  	_ =	shalt  }
.Lfunc_end0:
.L_simem_size_0:
called_computation_lowered:
.L_overlay_start_0:
0x88: {  	s2 =	sld [smem:$0x3FD9]  }
0x89: {  	s3 =	sld [smem:$0x3FFE];
	_ =	sdelay $0x1  }
0x8a: {  	s1 =	srdreg.scid  }
0x8b: {  	s0 =	sand.u32 $0x1, s1  }
0x8c: {  	s17 =	sshll.u32 s0, $0xA;
	s2 =	sadd.s32 s3, s2  }
0x8d: {  	s2 =	sadd.s32 s2, s17  }
0x8e: {  	[smem:$0x3FC0] =	sst s2  }
0x8f: {  	_ = 	snop  }
0x90: {  	s18 =	sld [smem:$0x3FD0];
	(tm) =	ssettm $0x1  }
0x91: {  	s19 =	sld [smem:$0x3FFB];
	_ =	sdelay $0x3  }
0x92: {  	_ =	strace s19  }
0x93: {  	s2 =	sld [smem:$0x3FFC];
	_ =	sdelay $0x3  }
0x94: {  	_ =	strace s2  }
0x95: {  	s2 =	sld [smem:$0x3FFD];
	_ =	sdelay $0x3  }
0x96: {  	_ =	strace s2  }
0x97: {  	_ =	strace $0x8FFFFFFF  }
0x98: {  	s20 =	sld [smem:$0x3FDB];
	_ =	sdelay $0x1  }
0x99: {  	s4 =	simm.s32 $_scs_section_size  }
0x9a: {  	s5 =	simm.s32 $_size__tile_overlayer_lowered;
	s6 =	simm.s32 $_tile_overlayer_lowered  }
0x9b: {  	s7 =	simm.s32 $0x1BFF;
	s21 =	sshll.u32 s6, $0x1;
	s4 =	sadd.s32 s4, s20  }
0x9c: {  	s22 =	simm.s32 $0x0;
	s5 =	sshll.u32 s5, $0x1;
	s6 =	sadd.s32 s21, s4  }
0x9d: {  	[timem:s22], [sflag:s7] =	dma.local [hbm:s6], s5  }
0x9e: {  	_ =	swait.ge [sflag:s7], s5  }
0x9f: {  	s5 =	ssub.s32 $0x0, s5;
	[sflag:s7] =	ssyncset.done $0x0  }
0xa0: {  	[sflag:s7] =	ssyncadd.s32 s5;
	_ =	sdelay $0x1  }
0xa1: {  	s23 =	simm.s32 $0x1B8B  }
0xa2: {  	_ =	swait.ge [sflag:s23], $0x1  }
0xa3: {  	[sflag:s23] =	ssyncset.done $0x0  }
0xa4: {  	[sflag:s23] =	ssyncadd.s32 $0xFFFFFFFF  }
0xa5: {  	s5 =	sld [smem:$0x0]  }
0xa6: {  	s6 =	sand.u32 $0xFFFFFFFE, s1  }
0xa7: {  	p0 =	sne.s32 s1, s6  }
0xa8: {  	s6 =	sshll.u32 @p0 s6, $0xE  }
0xa9: {  	s6 =	sadd.s32 @p0 $0x11B8D, s6;
	s7 =	sshll.u32 @p0 s5, $0x11  }
0xaa: {  	s6 =	sor.u32 @p0 s7, s6  }
0xab: {  	[sflag:s6] =	ssyncadd.remote.s32 @p0 $0x1;
	_ =	sdelay $0x1  }
0xac: {  	s6 =	simm.s32 @p0 $0x1B8D  }
0xad: {  	_ =	swait.eq @p0 [sflag:s6], $0x1  }
0xae: {  	[sflag:s6] =	ssyncadd.s32 @p0 $0xFFFFFFFF  }
0xaf: {  	s7 =	sshll.u32 @!p0 s1, $0xE  }
0xb0: {  	s7 =	sor.u32 @!p0 $0x4000, s7;
	s6 =	simm.s32 @!p0 $0x1B8D  }
0xb1: {  	s5 =	sshll.u32 @!p0 s5, $0x11;
	s7 =	sadd.s32 @!p0 $0x11B8D, s7;
	_ =	swait.eq @!p0 [sflag:s6], $0x1  }
0xb2: {  	s5 =	sor.u32 @!p0 s5, s7;
	[sflag:s6] =	ssyncadd.s32 @!p0 $0xFFFFFFFF  }
0xb3: {  	s25 =	simm.s32 $0x1B8E;
	s24 =	sld [smem:$0x3FFE];
	[sflag:s5] =	ssyncadd.remote.s32 @!p0 $0x1  }
0xb4: {  	s26 =	simm.s32 $execute0_lowered;
	[smem:$0x3FD2] =	sst s25  }
0xb5: {  	s6 =	sshll.u32 s26, $0x1;
	_ =	strace $0x80000049;
	[dreg:$0x1] =	wrdreg $0xFFFFFFFF  }
0xb6: {  	s28 =	simm.s32 $_size_execute0_lowered;
	s4 =	sadd.s32 s4, s6;
	[dreg:$0x0] =	wrdreg $0x0  }
0xb7: {  	s6 =	sshll.u32 s28, $0x1;
	[dreg:$0x2] =	wrdreg s4  }
0xb8: {  	[dreg:$0x3] =	wrdreg s6  }
0xb9: {  	[dreg:$0x4] =	wrdreg $0xC0  }
0xba: {  	_ =	task [dreg:s22], $0x5FFFF  }
0xbb: {  	[dreg:$0x1] =	wrdreg $0xFFFFFFFF  }
0xbc: {  	[dreg:$0x0] =	wrdreg $0x60  }
0xbd: {  	[dreg:$0x2] =	wrdreg s24  }
0xbe: {  	[dreg:$0x3] =	wrdreg s18  }
0xbf: {  	[dreg:$0x4] =	wrdreg $0x40800  }
0xc0: {  	[dreg:$0x5] =	wrdreg $0x9  }
0xc1: {  	_ =	task.clear_ibuf [dreg:s22], $0x6FFFF;
	_ =	strace $0x90000049  }
0xc2: {  	s29 =	simm.s32 $0x9;
	_ =	strace $0x8000004B  }
0xc3: {  	_ =	swait.ge [sflag:s29], $0x1  }
0xc4: {  	[sflag:s29] =	ssyncadd.s32 $0xFFFFFFFF  }
0xc5: {  	_ =	strace $0x9000004B  }
0xc6: {  	_ =	sfence  }
0xc7: {  	s30 =	sld [smem:$0x0];
	_ =	sdelay $0x2  }
0xc8: {  	s31 =	sshll.u32 s1, $0xD;
	s1 =	sshrl.u32 s1, $0x2  }
0xc9: {  	s4 =	sand.u32 $0x4000, s31;
	s1 =	sadd.s32 s1, s30  }
0xca: {  	s0 =	sor.u32 s4, s0;
	s1 =	sshll.u32 s1, $0x11  }
0xcb: {  	s0 =	sor.u32 s1, s0  }
0xcc: {  	s0 =	sadd.s32 $0x8F2B, s0  }
0xcd: {  	[sflag:s0] =	ssyncadd.remote.s32 $0x1  }
0xce: {  	_ =	sfence.sel $0xFFFF  }
0xcf: {  	[dreg:$0x0] =	wrdreg $0xFFFFFFFF;
	(pc) =	sbr.abs _section_cstart, $3  }
0xd0: {  	[dreg:$0x1] =	wrdreg $0xFFFFFFFF  }
0xd1: {  	_ =	task.clear_ibuf [dreg:s22], $0x2FFFF;
	_ =	strace $0x9FFFFFFF  }
0xd2: {  	(tm) =	ssettm $0x7FFFFFFF  }
0xd3: {  	_ =	shalt  }
tec
execute0_lowered:
.L_overlay_start_1:
0x0: {  	(tag) =	ssettag $0x1  }
0x1: {  	s6 =	rddreg [dreg:$0x0]  }
0x2: {  	s2 =	rddreg [dreg:$0x1];
	s1 =	stileid.u32  }
0x3: {  	s0 =	srdreg.scid;
	s8 =	smul.u32 $0x13C00, s1  }
0x4: {  	s3 =	rddreg [dreg:$0x2];
	s4 =	simm.s32 $0x0;
	s10 =	smul.u32 $0x4F000, s1  }
0x5: {  	s7 =	sand.u32 $0x1, s0;
	s0 =	rddreg [dreg:$0x3];
	s11 =	smul.u32 $0x4F0, s1  }
0x6: {  	s13 =	simm.s32 $0x0;
	[smem:$0x7FF] =	sst s4;
	s5 =	smul.u32 $0x13C000, s7  }
0x7: {  	s30 =	sshll.u32 s1, $0x6;
	s9 =	smul.u32 $0x4F00, s7;
	s29 =	ssub.s32 $0x2, s7  }
0x8: {  	_ =	strace $0x8000004A;
	s7 =	sshrl.u32 s29, $0x1;
	s10 =	sshrl.u32 s10, $0x2  }
0x9: {  	s5 =	sadd.s32 s8, s5;
	s26 =	sadd.s32 s9, s6;
	s12 =	ssub.s32 s29, s7  }
0xa: {  	s10 =	sadd.s32 s10, s3;
	s28 =	sshrl.u32 s5, $0x3;
	s5 =	sadd.s32 $0x15C00, s6  }
0xb: {  	s31 =	sadd.s32 s11, s26;
	s8 =	smax.u32 s12, $0x1;
	s10 =	sshrl.u32 s10, $0x3  }
0xc: {  	s11 =	simm.s32 $0x1;
	s12 =	simm.s32 $0x80;
	s9 =	sadd.s32 s28, s6  }
0xd: {  	s6 =	sor.u32 $0x1C01, s30;
	s7 =	sadd.s32 $0x67400, s9;
	s9 =	sadd.s32 $0x2000, s31  }
.LBB2_1:
0xe: {  	[spmem:s10], [sflag:s6] =	dma.local [hbm:s5], $0x2780  }
0xf: {  	_ =	swait.ge [sflag:s11], $0x2780  }
0x10: {  	[sflag:s11] =	ssyncset.done $0x0  }
0x11: {  	[sflag:s11] =	ssyncadd.s32 $0xFFFFD880  }
0x12: {  	[tilespmem:s12], [sflag:$0x1] =	stream.linear.gather [hbm4b:s2+s4], $0x4000, $0x38;
	[tilespmem:$0x17C80] =	vst v63  }
0x13: {  	_ =	swait.ge [sflag:s11], $0x4000  }
0x14: {  	[sflag:s11] =	ssyncset.done $0x0  }
0x15: {  	[sflag:s11] =	ssyncadd.s32 $0xFFFFC000  }
0x16: {  	s14 =	sadd.s32 $0x0, s9;
	[bflag:$0x0] =	sbarrier.arrive $0xFFFF  }
0x17: {  	[tilespmem:s4], [sflag:$0x1] =	stream.linear.gather [hbm4b:s14+s4], $0x80, $0x38;
	[tilespmem:$0x17C80] =	vst v63  }
0x18: {  	_ =	swait.ge [sflag:s11], $0x80  }
0x19: {  	[sflag:s11] =	ssyncset.done $0x0  }
0x1a: {  	[sflag:s11] =	ssyncadd.s32 $0xFFFFFF80  }
0x1b: {  	[spmem:s3] =	stream.indirect.scatter.add.f32 [tilespmem:s12], [sflag:$0x1], $0x80, s4, s12, $0xb8;
	[tilespmem:$0x17C80] =	vst v63  }
0x1c: {  	_ =	swait.ge [sflag:s11], $0x4000  }
0x1d: {  	s15 =	simm.s32 $0x20;
	s14 =	simm.s32 $0x10;
	[sflag:s11] =	ssyncset.done $0x0  }
.LBB2_2:
0x1e: {  	s16 =	sadd.s32 s14, s9  }
0x1f: {  	[sflag:s11] =	ssyncadd.s32 $0xFFFFC000;
	s14 =	smov.u32 s15;
	s17 =	sadd.s32 $0x10, s15  }
0x20: {  	[tilespmem:s4], [sflag:$0x1] =	stream.linear.gather [hbm4b:s16+s4], $0x80, $0x38;
	[tilespmem:$0x17C80] =	vst v63  }
0x21: {  	p0 =	sne.s32 s15, $0x4E0;
	_ =	swait.ge [sflag:s11], $0x80  }
.Ltmp0:
0x22: {  	[sflag:s11] =	ssyncset.done $0x0;
	(pc) =	sbr.rel @p0 .LBB2_2-.Ltmp0, $4  }
0x23: {  	[sflag:s11] =	ssyncadd.s32 $0xFFFFFF80  }
0x24: {  	[spmem:s3] =	stream.indirect.scatter.add.f32 [tilespmem:s12], [sflag:$0x1], $0x80, s4, s12, $0xb8;
	[tilespmem:$0x17C80] =	vst v63  }
0x25: {  	_ =	swait.ge [sflag:s11], $0x4000  }
0x26: {  	s15 =	smov.u32 s17;
	[sflag:s11] =	ssyncset.done $0x0  }
0x27: {  	s14 =	sadd.s32 s14, s9;
	[sflag:s11] =	ssyncadd.s32 $0xFFFFC000  }
0x28: {  	[tilespmem:s4], [sflag:$0x1] =	stream.linear.gather [hbm4b:s14+s4], $0x80, $0x38;
	[tilespmem:$0x17C80] =	vst v63  }
0x29: {  	_ =	swait.ge [sflag:s11], $0x80  }
0x2a: {  	[sflag:s11] =	ssyncset.done $0x0  }
0x2b: {  	[sflag:s11] =	ssyncadd.s32 $0xFFFFFF80  }
0x2c: {  	[spmem:s3] =	stream.indirect.scatter.add.f32 [tilespmem:s12], [sflag:$0x1], $0x80, s4, s12, $0xb8;
	[tilespmem:$0x17C80] =	vst v63  }
0x2d: {  	_ =	swait.ge [sflag:s11], $0x4000  }
0x2e: {  	s13 =	sadd.s32 $0x1, s13;
	[sflag:s11] =	ssyncset.done $0x0  }
0x2f: {  	p0 =	sne.s32 s13, s8;
	[sflag:s11] =	ssyncadd.s32 $0xFFFFC000  }
.Ltmp1:
0x30: {  	[bflag:$0x0] =	sbarrier.arrive $0xFFFF;
	(pc) =	sbr.rel @p0 .LBB2_1-.Ltmp1, $4  }
0x31: {  	[hbm:s7], [sflag:s6] =	dma.local [spmem:s10], $0x2780  }
0x32: {  	_ =	swait.ge [sflag:s11], $0x2780  }
0x33: {  	[sflag:s11] =	ssyncset.done $0x0  }
0x34: {  	[sflag:s11] =	ssyncadd.s32 $0xFFFFD880  }
0x35: {  	_ =	sfence.sel $0x180000  }
0x36: {  	[bflag:$0x0] =	sbarrier.arrive $0xFFFF  }
0x37: {  	p0 =	sne.s32 s1, $0x0;
	_ =	strace $0x9000004A  }
0x38: {  	s0 =	sadd.s32 @!p0 $0x100000, s0;
	[bflag:$0x2] =	sbarrier.arrive $0xFFFF  }
0x39: {  	[sflag:s0] =	ssyncadd.tile.s32 @!p0 $0x1;
	_ =	shalt  }
.Lfunc_end2:
_tile_overlayer_lowered:
.L_overlay_start_2:
0x3a: {  	(tag) =	ssettag $0x2  }
0x3b: {  	s0 =	rddreg [dreg:$0x0];
	s2 =	stileid.u32  }
0x3c: {  	s1 =	rddreg [dreg:$0x1];
	p0 =	sne.s32 s2, $0x0  }
0x3d: {  	s3 =	rddreg [dreg:$0x2];
	[bflag:$0x3] =	sbarrier.arrive $0xFFFF;
	s2 =	simm.s32 @!p0 $0x1C01  }
0x3e: {  	[timem:s3], [sflag:s2] =	dma.local @!p0 [hbm:s0], s1  }
0x3f: {  	s0 =	simm.s32 @!p0 $0x1  }
0x40: {  	_ =	swait.ge @!p0 [sflag:s0], s1  }
0x41: {  	s1 =	ssub.s32 @!p0 $0x0, s1;
	[sflag:s0] =	ssyncset.done @!p0 $0x0  }
0x42: {  	[sflag:s0] =	ssyncadd.s32 @!p0 s1  }
0x43: {  	[bflag:$0x3] =	sbarrier.arrive $0xFFFF  }
0x44: {  	_ =	shalt  }

</sc_bundles>
